<compile_context>
chip_gen: v7x
topology: tpu7x:2x2x1
jax: 0.10.2.dev20260603
libtpu: 0.0.44.dev20260713+nightly
codegen_flags: <defaults>
</compile_context>

<pallas_src>
import functools

import jax
import jax.numpy as jnp
from jax import lax
from jax.experimental import pallas as pl
from jax.experimental.pallas import tpu as pltpu
from jax.experimental.pallas import tpu_sc as plsc

N = 10000
E = 320000
D = 128

NC = 2
NS = 16
NW = NC * NS
CHUNK = 96
CPT = 105
RING = 4
NCHUNKS = NW * CPT
EPAD = NCHUNKS * CHUNK
PAD_ROWS = 32
NPADDED = 10112
ROWS_PER_TILE = NPADDED // NS

_mesh = plsc.VectorSubcoreMesh(core_axis_name="c", subcore_axis_name="s")


@functools.partial(
    pl.kernel,
    out_type=jax.ShapeDtypeStruct((NW, NPADDED), jnp.float32),
    mesh=_mesh,
    scratch_types=[
        pltpu.VMEM((NPADDED,), jnp.float32),
        pltpu.VMEM((CPT * CHUNK,), jnp.int32),
        pltpu.SemaphoreType.DMA,
    ],
    compiler_params=pltpu.CompilerParams(needs_layout_passes=False),
)
def _deg_kernel(dst_hbm, degp_hbm, hist_v, didx_v, dsem):
    cid = lax.axis_index("c")
    sid = lax.axis_index("s")
    wid = sid * NC + cid

    pltpu.async_copy(dst_hbm.at[pl.ds(wid * CPT * CHUNK, CPT * CHUNK)],
                     didx_v, dsem)

    zero16 = jnp.zeros((16,), jnp.float32)

    @pl.loop(0, NPADDED // 16, unroll=4)
    def _(i):
        hist_v[pl.ds(i * 16, 16)] = zero16

    pltpu.make_async_copy(
        dst_hbm.at[pl.ds(wid * CPT * CHUNK, CPT * CHUNK)],
        didx_v, dsem).wait()

    ones16 = jnp.full((16,), 1.0, jnp.float32)

    @pl.loop(0, (CPT * CHUNK) // 96, unroll=4)
    def _(j):
        for k in range(6):
            idx = didx_v[pl.ds(j * 96 + k * 16, 16)]
            plsc.addupdate_scatter(hist_v, [idx], ones16)

    pltpu.sync_copy(hist_v, degp_hbm.at[wid])


def _mm_body(x_ref, w_ref, degp_ref, xws_ref, dis_ref):
    deg = jnp.sum(degp_ref[...], axis=0) + 1.0
    dis = lax.rsqrt(deg)
    xw = jnp.dot(x_ref[...], w_ref[...], preferred_element_type=jnp.float32)
    xws_ref[...] = xw * dis[:, None]
    dis_ref[...] = dis[:, None]


_mm_call = pl.pallas_call(
    _mm_body,
    out_shape=[
        jax.ShapeDtypeStruct((NPADDED, D), jnp.float32),
        jax.ShapeDtypeStruct((NPADDED, 1), jnp.float32),
    ],
)


@functools.partial(
    pl.kernel,
    out_type=jax.ShapeDtypeStruct((NC, NPADDED, D), jnp.float32),
    mesh=_mesh,
    scratch_types=[
        pltpu.VMEM_SHARED((NPADDED, D), jnp.float32),
        pltpu.VMEM((CHUNK,), jnp.int32),
        pltpu.VMEM((CHUNK,), jnp.int32),
        pltpu.VMEM((CHUNK,), jnp.int32),
        pltpu.VMEM((CHUNK,), jnp.int32),
        pltpu.VMEM((CHUNK,), jnp.int32),
        pltpu.VMEM((CHUNK,), jnp.int32),
        pltpu.VMEM((CHUNK,), jnp.int32),
        pltpu.VMEM((CHUNK,), jnp.int32),
        pltpu.VMEM((CHUNK, D), jnp.float32),
        pltpu.VMEM((CHUNK, D), jnp.float32),
        pltpu.VMEM((CHUNK, D), jnp.float32),
        pltpu.VMEM((CHUNK, D), jnp.float32),
        pltpu.SemaphoreType.DMA,
        pltpu.SemaphoreType.DMA,
        pltpu.SemaphoreType.DMA,
        pltpu.SemaphoreType.DMA,
        pltpu.SemaphoreType.DMA,
        pltpu.SemaphoreType.DMA,
        pltpu.SemaphoreType.DMA,
        pltpu.SemaphoreType.DMA,
        pltpu.SemaphoreType.DMA,
        pltpu.SemaphoreType.DMA,
        pltpu.SemaphoreType.DMA,
        pltpu.SemaphoreType.DMA,
    ],
    compiler_params=pltpu.CompilerParams(needs_layout_passes=False),
)
def _edge_kernel(xws_hbm, src_hbm, dst_hbm, out_hbm,
                 acc_sp, si0, si1, si2, si3, di0, di1, di2, di3,
                 rows0, rows1, rows2, rows3,
                 isem0, isem1, isem2, isem3, jsem0, jsem1, jsem2, jsem3,
                 rsem0, rsem1, rsem2, rsem3):
    cid = lax.axis_index("c")
    sid = lax.axis_index("s")
    wid = sid * NC + cid
    r0 = sid * ROWS_PER_TILE

    zero16 = jnp.zeros((16,), jnp.float32)

    @pl.loop(0, CHUNK)
    def _(r):
        for k in range(D // 16):
            rows0[r, pl.ds(16 * k, 16)] = zero16

    for i in range(6):
        pltpu.async_copy(rows0, acc_sp.at[pl.ds(r0 + i * CHUNK, CHUNK), :],
                         rsem0)
    pltpu.async_copy(rows0.at[pl.ds(0, 56), :],
                     acc_sp.at[pl.ds(r0 + 6 * CHUNK, 56), :], rsem0)
    for i in range(6):
        pltpu.make_async_copy(
            rows0, acc_sp.at[pl.ds(r0 + i * CHUNK, CHUNK), :], rsem0).wait()
    pltpu.make_async_copy(
        rows0.at[pl.ds(0, 56), :],
        acc_sp.at[pl.ds(r0 + 6 * CHUNK, 56), :], rsem0).wait()
    plsc.subcore_barrier()

    sidx = (si0, si1, si2, si3)
    didx = (di0, di1, di2, di3)
    rows = (rows0, rows1, rows2, rows3)
    isems = (isem0, isem1, isem2, isem3)
    jsems = (jsem0, jsem1, jsem2, jsem3)
    rsems = (rsem0, rsem1, rsem2, rsem3)

    def sidx_start(c, b):
        off = (wid + c * NW) * CHUNK
        pltpu.async_copy(src_hbm.at[pl.ds(off, CHUNK)], sidx[b], isems[b])

    def didx_start(c, b):
        off = (wid + c * NW) * CHUNK
        pltpu.async_copy(dst_hbm.at[pl.ds(off, CHUNK)], didx[b], jsems[b])

    def idx_start(c, b):
        sidx_start(c, b)
        didx_start(c, b)

    def gather_start(c, b):
        off = (wid + c * NW) * CHUNK
        pltpu.make_async_copy(src_hbm.at[pl.ds(off, CHUNK)],
                              sidx[b], isems[b]).wait()
        pltpu.async_copy(xws_hbm.at[sidx[b]], rows[b], rsems[b])

    def gather_wait(b):
        pltpu.make_async_copy(xws_hbm.at[sidx[b]], rows[b], rsems[b]).wait()

    def scatter(c, b):
        off = (wid + c * NW) * CHUNK
        pltpu.make_async_copy(dst_hbm.at[pl.ds(off, CHUNK)],
                              didx[b], jsems[b]).wait()
        pltpu.sync_copy(rows[b], acc_sp.at[didx[b]], add=True)

    for b in range(RING):
        idx_start(b, b)
    for b in range(RING):
        gather_start(b, b)

    @pl.loop(0, CPT - RING - 1, step=RING)
    def _(j):
        for b in range(RING):
            c = j + b
            gather_wait(b)
            sidx_start(c + RING, b)
            scatter(c, b)
            didx_start(c + RING, b)
            gather_start(c + RING, b)

    gather_wait(0)
    sidx_start(CPT - 1, 0)
    scatter(CPT - 5, 0)
    didx_start(CPT - 1, 0)
    gather_start(CPT - 1, 0)
    gather_wait(1)
    scatter(CPT - 4, 1)
    gather_wait(2)
    scatter(CPT - 3, 2)
    gather_wait(3)
    scatter(CPT - 2, 3)
    gather_wait(0)
    scatter(CPT - 1, 0)

    plsc.subcore_barrier()
    pltpu.sync_copy(acc_sp.at[pl.ds(r0, ROWS_PER_TILE), :],
                    out_hbm.at[cid, pl.ds(r0, ROWS_PER_TILE), :])


def _fin_body(accp_ref, xws_ref, dis_ref, b_ref, g_ref, be_ref, out_ref):
    t = (accp_ref[0] + accp_ref[1] + xws_ref[...]) * dis_ref[...] + b_ref[...]
    mu = jnp.mean(t, axis=-1, keepdims=True)
    var = jnp.mean(jnp.square(t - mu), axis=-1, keepdims=True)
    out_ref[...] = (t - mu) * lax.rsqrt(var + 1e-5) * g_ref[...] + be_ref[...]


_RB = 2000

_fin_call = pl.pallas_call(
    _fin_body,
    grid=(N // _RB,),
    in_specs=[
        pl.BlockSpec((2, _RB, D), lambda i: (0, i, 0)),
        pl.BlockSpec((_RB, D), lambda i: (i, 0)),
        pl.BlockSpec((_RB, 1), lambda i: (i, 0)),
        pl.BlockSpec((1, D), lambda i: (0, 0)),
        pl.BlockSpec((1, D), lambda i: (0, 0)),
        pl.BlockSpec((1, D), lambda i: (0, 0)),
    ],
    out_specs=pl.BlockSpec((_RB, D), lambda i: (i, 0)),
    out_shape=jax.ShapeDtypeStruct((N, D), jnp.float32),
)


def kernel(x, edge_index, W, b, gamma, beta):
    src = edge_index[0].astype(jnp.int32)
    dst = edge_index[1].astype(jnp.int32)
    npad = EPAD - E
    pad_idx = (jnp.arange(npad, dtype=jnp.int32) % PAD_ROWS) + N
    src_p = jnp.concatenate([src, pad_idx])
    dst_p = jnp.concatenate([dst, pad_idx])

    x_pad = jnp.concatenate(
        [x, jnp.zeros((NPADDED - N, D), jnp.float32)], axis=0)
    degp = _deg_kernel(dst_p)
    xws, dis = _mm_call(x_pad, W, degp)
    accp = _edge_kernel(xws, src_p, dst_p)

    out = _fin_call(accp, xws, dis,
                    b.reshape(1, D), gamma.reshape(1, D), beta.reshape(1, D))
    return out

# --- scband reference (transcript-rebuilt; emitter-appended) ---
"""Pipeline reference for scband-conv-block-v1-11982958756494 (READ-ONLY COPY).

The authoritative reference and input builder live on the scoring server;
editing this copy changes nothing except your own understanding.
"""

import jax, jax.numpy as jnp
import numpy as np

N = 10000
E = 320000
D = 128

def setup_inputs(seed: int = 0) -> dict:
    key = jax.random.key(seed)
    k1, k2, k3 = jax.random.split(key, 3)
    x = jax.random.normal(k1, (N, D), dtype=jnp.float32)
    edge_index = jax.random.randint(k2, (2, E), 0, N, dtype=jnp.int64)
    W = jax.random.normal(k3, (D, D), dtype=jnp.float32) * (1.0 / np.sqrt(D))
    b = jnp.zeros((D,), dtype=jnp.float32)
    gamma = jnp.ones((D,), dtype=jnp.float32)
    beta = jnp.zeros((D,), dtype=jnp.float32)
    return {"x": x, "edge_index": edge_index, "W": W, "b": b, "gamma": gamma, "beta": beta}

def reference(x, edge_index, W, b, gamma, beta):
    # GCNConv with symmetric normalization and self-loops (PyG semantics)
    n = x.shape[0]
    loop = jnp.arange(n, dtype=edge_index.dtype)
    src = jnp.concatenate([edge_index[0], loop])
    dst = jnp.concatenate([edge_index[1], loop])
    xw = x @ W
    deg = jnp.zeros((n,), dtype=x.dtype).at[dst].add(1.0)
    deg_inv_sqrt = jnp.where(deg > 0, 1.0 / jnp.sqrt(deg), 0.0)
    norm = deg_inv_sqrt[src] * deg_inv_sqrt[dst]
    msgs = jnp.take(xw, src, axis=0) * norm[:, None]
    out = jax.ops.segment_sum(msgs, dst, num_segments=n) + b
    # LayerNorm(output_dim)
    mu = jnp.mean(out, axis=-1, keepdims=True)
    var = jnp.var(out, axis=-1, keepdims=True)
    out = (out - mu) / jnp.sqrt(var + 1e-5) * gamma + beta
    # act = Identity() (last_act truthy); dropout is identity in eval; residual=False
    return out

if __name__ == "__main__":
    import jax
    _d = setup_inputs()
    print(jax.jit(kernel)(*tuple(_d.values())))

</pallas_src>

<mosaic_0001>
#map = affine_map<(d0, d1) -> (0)>
#map1 = affine_map<(d0, d1) -> (0, 0)>
module attributes {stable_mosaic.version = 14 : i64} {
  func.func @_deg_kernel(%arg0: i32, %arg1: i32, %arg2: memref<322560xi32, #tpu.memory_space<hbm>>, %arg3: memref<32x10112xf32, #tpu.memory_space<hbm>>, %arg4: memref<10112xf32, #tpu.memory_space<vmem>>, %arg5: memref<10080xi32, #tpu.memory_space<vmem>>, %arg6: memref<!tpu.dma_semaphore, #tpu.memory_space<semaphore_mem>>) attributes {dimension_semantics = [#tpu.dimension_semantics<core_parallel>, #tpu.dimension_semantics<subcore_parallel>], iteration_bounds = array<i64: 2, 16>, scalar_prefetch = 0 : i64, scratch_operands = 3 : i64, tpu.core_type = #tpu.core_type<sc_vector_subcore>, window_params = [{transform_indices = #map}, {transform_indices = #map1}]} {
    %mul3A = arith.constant 2 : i32
    %mul3A_0 = arith.muli %arg1, %mul3A : i32
    %add3A = arith.addi %mul3A_0, %arg0 : i32
    %mul3A_1 = arith.constant 105 : i32
    %mul3A_2 = arith.muli %add3A, %mul3A_1 : i32
    %mul3A_3 = arith.constant 96 : i32
    %mul3A_4 = arith.muli %mul3A_2, %mul3A_3 : i32
    %dma_start3A = tpu.memref_slice %arg2[%mul3A_4] : memref<322560xi32, #tpu.memory_space<hbm>> -> memref<10080xi32, #tpu.memory_space<hbm>>
    %dma_start3A_5 = tpu.memref_slice %arg2[%mul3A_4] : memref<322560xi32, #tpu.memory_space<hbm>> -> memref<10080xi32, #tpu.memory_space<hbm>>
    tpu.enqueue_dma source(%dma_start3A_5 : memref<10080xi32, #tpu.memory_space<hbm>>) target(%arg5 : memref<10080xi32, #tpu.memory_space<vmem>>) target_semaphore(%arg6 : memref<!tpu.dma_semaphore, #tpu.memory_space<semaphore_mem>>)
    %broadcast_in_dim3A = arith.constant 0.000000e+00 : f32
    %broadcast_in_dim3A_6 = vector.broadcast %broadcast_in_dim3A : f32 to vector<16xf32>
    %scan3A = arith.constant 0 : i32
    %scan3A_7 = arith.constant 632 : i32
    %scan3A_8 = arith.addi %scan3A, %scan3A_7 : i32
    %scan3A_9 = arith.constant 4 : i32
    scf.for %scan3A_64 = %scan3A to %scan3A_8 step %scan3A_9  : i32 {
      %mul3A_65 = arith.constant 1 : i32
      %mul3A_66 = arith.muli %scan3A_64, %mul3A_65 : i32
      %add3A_67 = arith.constant 0 : i32
      %add3A_68 = arith.addi %add3A_67, %mul3A_66 : i32
      %mul3A_69 = arith.constant 16 : i32
      %mul3A_70 = arith.muli %add3A_68, %mul3A_69 : i32
      %swap3A = arith.index_cast %mul3A_70 : i32 to index
      %swap3A_71 = tpu.vector_load %arg4[%swap3A] {strides = array<i32>} : memref<10112xf32, #tpu.memory_space<vmem>>, vector<16xf32>,
      tpu.vector_store %arg4[%swap3A], %broadcast_in_dim3A_6 {strides = array<i32>} : memref<10112xf32, #tpu.memory_space<vmem>>, vector<16xf32>,
      %scan3A_72 = arith.constant 1 : i32
      %scan3A_73 = arith.addi %scan3A_64, %scan3A_72 : i32
      %mul3A_74 = arith.constant 1 : i32
      %mul3A_75 = arith.muli %scan3A_73, %mul3A_74 : i32
      %add3A_76 = arith.constant 0 : i32
      %add3A_77 = arith.addi %add3A_76, %mul3A_75 : i32
      %mul3A_78 = arith.constant 16 : i32
      %mul3A_79 = arith.muli %add3A_77, %mul3A_78 : i32
      %swap3A_80 = arith.index_cast %mul3A_79 : i32 to index
      %swap3A_81 = tpu.vector_load %arg4[%swap3A_80] {strides = array<i32>} : memref<10112xf32, #tpu.memory_space<vmem>>, vector<16xf32>,
      tpu.vector_store %arg4[%swap3A_80], %broadcast_in_dim3A_6 {strides = array<i32>} : memref<10112xf32, #tpu.memory_space<vmem>>, vector<16xf32>,
      %scan3A_82 = arith.constant 2 : i32
      %scan3A_83 = arith.addi %scan3A_64, %scan3A_82 : i32
      %mul3A_84 = arith.constant 1 : i32
      %mul3A_85 = arith.muli %scan3A_83, %mul3A_84 : i32
      %add3A_86 = arith.constant 0 : i32
      %add3A_87 = arith.addi %add3A_86, %mul3A_85 : i32
      %mul3A_88 = arith.constant 16 : i32
      %mul3A_89 = arith.muli %add3A_87, %mul3A_88 : i32
      %swap3A_90 = arith.index_cast %mul3A_89 : i32 to index
      %swap3A_91 = tpu.vector_load %arg4[%swap3A_90] {strides = array<i32>} : memref<10112xf32, #tpu.memory_space<vmem>>, vector<16xf32>,
      tpu.vector_store %arg4[%swap3A_90], %broadcast_in_dim3A_6 {strides = array<i32>} : memref<10112xf32, #tpu.memory_space<vmem>>, vector<16xf32>,
      %scan3A_92 = arith.constant 3 : i32
      %scan3A_93 = arith.addi %scan3A_64, %scan3A_92 : i32
      %mul3A_94 = arith.constant 1 : i32
      %mul3A_95 = arith.muli %scan3A_93, %mul3A_94 : i32
      %add3A_96 = arith.constant 0 : i32
      %add3A_97 = arith.addi %add3A_96, %mul3A_95 : i32
      %mul3A_98 = arith.constant 16 : i32
      %mul3A_99 = arith.muli %add3A_97, %mul3A_98 : i32
      %swap3A_100 = arith.index_cast %mul3A_99 : i32 to index
      %swap3A_101 = tpu.vector_load %arg4[%swap3A_100] {strides = array<i32>} : memref<10112xf32, #tpu.memory_space<vmem>>, vector<16xf32>,
      tpu.vector_store %arg4[%swap3A_100], %broadcast_in_dim3A_6 {strides = array<i32>} : memref<10112xf32, #tpu.memory_space<vmem>>, vector<16xf32>,
    }
    %scan3A_10 = arith.constant 632 : i32
    %mul3A_11 = arith.constant 105 : i32
    %mul3A_12 = arith.muli %add3A, %mul3A_11 : i32
    %mul3A_13 = arith.constant 96 : i32
    %mul3A_14 = arith.muli %mul3A_12, %mul3A_13 : i32
    %dma_wait3A = tpu.memref_slice %arg2[%mul3A_14] : memref<322560xi32, #tpu.memory_space<hbm>> -> memref<10080xi32, #tpu.memory_space<hbm>>
    %dma_wait3A_15 = tpu.memref_slice %arg2[%mul3A_14] : memref<322560xi32, #tpu.memory_space<hbm>> -> memref<10080xi32, #tpu.memory_space<hbm>>
    tpu.wait_dma2 semaphore(%arg6 : memref<!tpu.dma_semaphore, #tpu.memory_space<semaphore_mem>>) src(%dma_wait3A_15 : memref<10080xi32, #tpu.memory_space<hbm>>) dst(%arg5 : memref<10080xi32, #tpu.memory_space<vmem>>)
    %broadcast_in_dim3A_16 = arith.constant 1.000000e+00 : f32
    %broadcast_in_dim3A_17 = vector.broadcast %broadcast_in_dim3A_16 : f32 to vector<16xf32>
    %scan3A_18 = arith.constant 0 : i32
    %scan3A_19 = arith.constant 104 : i32
    %scan3A_20 = arith.addi %scan3A_18, %scan3A_19 : i32
    %scan3A_21 = arith.constant 4 : i32
    scf.for %scan3A_64 = %scan3A_18 to %scan3A_20 step %scan3A_21  : i32 {
      %mul3A_65 = arith.constant 1 : i32
      %mul3A_66 = arith.muli %scan3A_64, %mul3A_65 : i32
      %add3A_67 = arith.constant 0 : i32
      %add3A_68 = arith.addi %add3A_67, %mul3A_66 : i32
      %mul3A_69 = arith.constant 96 : i32
      %mul3A_70 = arith.muli %add3A_68, %mul3A_69 : i32
      %add3A_71 = arith.constant 0 : i32
      %add3A_72 = arith.addi %mul3A_70, %add3A_71 : i32
      %get3A_73 = arith.index_cast %add3A_72 : i32 to index
      %get3A_74 = tpu.vector_load %arg5[%get3A_73] {strides = array<i32>} : memref<10080xi32, #tpu.memory_space<vmem>>, vector<16xi32>,
      tpu.vector_store_idx %arg4[%get3A_74], %broadcast_in_dim3A_17 {add = true} : memref<10112xf32, #tpu.memory_space<vmem>>[vector<16xi32>], vector<16xf32>,
      %mul3A_75 = arith.constant 96 : i32
      %mul3A_76 = arith.muli %add3A_68, %mul3A_75 : i32
      %add3A_77 = arith.constant 16 : i32
      %add3A_78 = arith.addi %mul3A_76, %add3A_77 : i32
      %get3A_79 = arith.index_cast %add3A_78 : i32 to index
      %get3A_80 = tpu.vector_load %arg5[%get3A_79] {strides = array<i32>} : memref<10080xi32, #tpu.memory_space<vmem>>, vector<16xi32>,
      tpu.vector_store_idx %arg4[%get3A_80], %broadcast_in_dim3A_17 {add = true} : memref<10112xf32, #tpu.memory_space<vmem>>[vector<16xi32>], vector<16xf32>,
      %mul3A_81 = arith.constant 96 : i32
      %mul3A_82 = arith.muli %add3A_68, %mul3A_81 : i32
      %add3A_83 = arith.constant 32 : i32
      %add3A_84 = arith.addi %mul3A_82, %add3A_83 : i32
      %get3A_85 = arith.index_cast %add3A_84 : i32 to index
      %get3A_86 = tpu.vector_load %arg5[%get3A_85] {strides = array<i32>} : memref<10080xi32, #tpu.memory_space<vmem>>, vector<16xi32>,
      tpu.vector_store_idx %arg4[%get3A_86], %broadcast_in_dim3A_17 {add = true} : memref<10112xf32, #tpu.memory_space<vmem>>[vector<16xi32>], vector<16xf32>,
      %mul3A_87 = arith.constant 96 : i32
      %mul3A_88 = arith.muli %add3A_68, %mul3A_87 : i32
      %add3A_89 = arith.constant 48 : i32
      %add3A_90 = arith.addi %mul3A_88, %add3A_89 : i32
      %get3A_91 = arith.index_cast %add3A_90 : i32 to index
      %get3A_92 = tpu.vector_load %arg5[%get3A_91] {strides = array<i32>} : memref<10080xi32, #tpu.memory_space<vmem>>, vector<16xi32>,
      tpu.vector_store_idx %arg4[%get3A_92], %broadcast_in_dim3A_17 {add = true} : memref<10112xf32, #tpu.memory_space<vmem>>[vector<16xi32>], vector<16xf32>,
      %mul3A_93 = arith.constant 96 : i32
      %mul3A_94 = arith.muli %add3A_68, %mul3A_93 : i32
      %add3A_95 = arith.constant 64 : i32
      %add3A_96 = arith.addi %mul3A_94, %add3A_95 : i32
      %get3A_97 = arith.index_cast %add3A_96 : i32 to index
      %get3A_98 = tpu.vector_load %arg5[%get3A_97] {strides = array<i32>} : memref<10080xi32, #tpu.memory_space<vmem>>, vector<16xi32>,
      tpu.vector_store_idx %arg4[%get3A_98], %broadcast_in_dim3A_17 {add = true} : memref<10112xf32, #tpu.memory_space<vmem>>[vector<16xi32>], vector<16xf32>,
      %mul3A_99 = arith.constant 96 : i32
      %mul3A_100 = arith.muli %add3A_68, %mul3A_99 : i32
      %add3A_101 = arith.constant 80 : i32
      %add3A_102 = arith.addi %mul3A_100, %add3A_101 : i32
      %get3A_103 = arith.index_cast %add3A_102 : i32 to index
      %get3A_104 = tpu.vector_load %arg5[%get3A_103] {strides = array<i32>} : memref<10080xi32, #tpu.memory_space<vmem>>, vector<16xi32>,
      tpu.vector_store_idx %arg4[%get3A_104], %broadcast_in_dim3A_17 {add = true} : memref<10112xf32, #tpu.memory_space<vmem>>[vector<16xi32>], vector<16xf32>,
      %scan3A_105 = arith.constant 1 : i32
      %scan3A_106 = arith.addi %scan3A_64, %scan3A_105 : i32
      %mul3A_107 = arith.constant 1 : i32
      %mul3A_108 = arith.muli %scan3A_106, %mul3A_107 : i32
      %add3A_109 = arith.constant 0 : i32
      %add3A_110 = arith.addi %add3A_109, %mul3A_108 : i32
      %mul3A_111 = arith.constant 96 : i32
      %mul3A_112 = arith.muli %add3A_110, %mul3A_111 : i32
      %add3A_113 = arith.constant 0 : i32
      %add3A_114 = arith.addi %mul3A_112, %add3A_113 : i32
      %get3A_115 = arith.index_cast %add3A_114 : i32 to index
      %get3A_116 = tpu.vector_load %arg5[%get3A_115] {strides = array<i32>} : memref<10080xi32, #tpu.memory_space<vmem>>, vector<16xi32>,
      tpu.vector_store_idx %arg4[%get3A_116], %broadcast_in_dim3A_17 {add = true} : memref<10112xf32, #tpu.memory_space<vmem>>[vector<16xi32>], vector<16xf32>,
      %mul3A_117 = arith.constant 96 : i32
      %mul3A_118 = arith.muli %add3A_110, %mul3A_117 : i32
      %add3A_119 = arith.constant 16 : i32
      %add3A_120 = arith.addi %mul3A_118, %add3A_119 : i32
      %get3A_121 = arith.index_cast %add3A_120 : i32 to index
      %get3A_122 = tpu.vector_load %arg5[%get3A_121] {strides = array<i32>} : memref<10080xi32, #tpu.memory_space<vmem>>, vector<16xi32>,
      tpu.vector_store_idx %arg4[%get3A_122], %broadcast_in_dim3A_17 {add = true} : memref<10112xf32, #tpu.memory_space<vmem>>[vector<16xi32>], vector<16xf32>,
      %mul3A_123 = arith.constant 96 : i32
      %mul3A_124 = arith.muli %add3A_110, %mul3A_123 : i32
      %add3A_125 = arith.constant 32 : i32
      %add3A_126 = arith.addi %mul3A_124, %add3A_125 : i32
      %get3A_127 = arith.index_cast %add3A_126 : i32 to index
      %get3A_128 = tpu.vector_load %arg5[%get3A_127] {strides = array<i32>} : memref<10080xi32, #tpu.memory_space<vmem>>, vector<16xi32>,
      tpu.vector_store_idx %arg4[%get3A_128], %broadcast_in_dim3A_17 {add = true} : memref<10112xf32, #tpu.memory_space<vmem>>[vector<16xi32>], vector<16xf32>,
      %mul3A_129 = arith.constant 96 : i32
      %mul3A_130 = arith.muli %add3A_110, %mul3A_129 : i32
      %add3A_131 = arith.constant 48 : i32
      %add3A_132 = arith.addi %mul3A_130, %add3A_131 : i32
      %get3A_133 = arith.index_cast %add3A_132 : i32 to index
      %get3A_134 = tpu.vector_load %arg5[%get3A_133] {strides = array<i32>} : memref<10080xi32, #tpu.memory_space<vmem>>, vector<16xi32>,
      tpu.vector_store_idx %arg4[%get3A_134], %broadcast_in_dim3A_17 {add = true} : memref<10112xf32, #tpu.memory_space<vmem>>[vector<16xi32>], vector<16xf32>,
      %mul3A_135 = arith.constant 96 : i32
      %mul3A_136 = arith.muli %add3A_110, %mul3A_135 : i32
      %add3A_137 = arith.constant 64 : i32
      %add3A_138 = arith.addi %mul3A_136, %add3A_137 : i32
      %get3A_139 = arith.index_cast %add3A_138 : i32 to index
      %get3A_140 = tpu.vector_load %arg5[%get3A_139] {strides = array<i32>} : memref<10080xi32, #tpu.memory_space<vmem>>, vector<16xi32>,
      tpu.vector_store_idx %arg4[%get3A_140], %broadcast_in_dim3A_17 {add = true} : memref<10112xf32, #tpu.memory_space<vmem>>[vector<16xi32>], vector<16xf32>,
      %mul3A_141 = arith.constant 96 : i32
      %mul3A_142 = arith.muli %add3A_110, %mul3A_141 : i32
      %add3A_143 = arith.constant 80 : i32
      %add3A_144 = arith.addi %mul3A_142, %add3A_143 : i32
      %get3A_145 = arith.index_cast %add3A_144 : i32 to index
      %get3A_146 = tpu.vector_load %arg5[%get3A_145] {strides = array<i32>} : memref<10080xi32, #tpu.memory_space<vmem>>, vector<16xi32>,
      tpu.vector_store_idx %arg4[%get3A_146], %broadcast_in_dim3A_17 {add = true} : memref<10112xf32, #tpu.memory_space<vmem>>[vector<16xi32>], vector<16xf32>,
      %scan3A_147 = arith.constant 2 : i32
      %scan3A_148 = arith.addi %scan3A_64, %scan3A_147 : i32
      %mul3A_149 = arith.constant 1 : i32
      %mul3A_150 = arith.muli %scan3A_148, %mul3A_149 : i32
      %add3A_151 = arith.constant 0 : i32
      %add3A_152 = arith.addi %add3A_151, %mul3A_150 : i32
      %mul3A_153 = arith.constant 96 : i32
      %mul3A_154 = arith.muli %add3A_152, %mul3A_153 : i32
      %add3A_155 = arith.constant 0 : i32
      %add3A_156 = arith.addi %mul3A_154, %add3A_155 : i32
      %get3A_157 = arith.index_cast %add3A_156 : i32 to index
      %get3A_158 = tpu.vector_load %arg5[%get3A_157] {strides = array<i32>} : memref<10080xi32, #tpu.memory_space<vmem>>, vector<16xi32>,
      tpu.vector_store_idx %arg4[%get3A_158], %broadcast_in_dim3A_17 {add = true} : memref<10112xf32, #tpu.memory_space<vmem>>[vector<16xi32>], vector<16xf32>,
      %mul3A_159 = arith.constant 96 : i32
      %mul3A_160 = arith.muli %add3A_152, %mul3A_159 : i32
      %add3A_161 = arith.constant 16 : i32
      %add3A_162 = arith.addi %mul3A_160, %add3A_161 : i32
      %get3A_163 = arith.index_cast %add3A_162 : i32 to index
      %get3A_164 = tpu.vector_load %arg5[%get3A_163] {strides = array<i32>} : memref<10080xi32, #tpu.memory_space<vmem>>, vector<16xi32>,
      tpu.vector_store_idx %arg4[%get3A_164], %broadcast_in_dim3A_17 {add = true} : memref<10112xf32, #tpu.memory_space<vmem>>[vector<16xi32>], vector<16xf32>,
      %mul3A_165 = arith.constant 96 : i32
      %mul3A_166 = arith.muli %add3A_152, %mul3A_165 : i32
      %add3A_167 = arith.constant 32 : i32
      %add3A_168 = arith.addi %mul3A_166, %add3A_167 : i32
      %get3A_169 = arith.index_cast %add3A_168 : i32 to index
      %get3A_170 = tpu.vector_load %arg5[%get3A_169] {strides = array<i32>} : memref<10080xi32, #tpu.memory_space<vmem>>, vector<16xi32>,
      tpu.vector_store_idx %arg4[%get3A_170], %broadcast_in_dim3A_17 {add = true} : memref<10112xf32, #tpu.memory_space<vmem>>[vector<16xi32>], vector<16xf32>,
      %mul3A_171 = arith.constant 96 : i32
      %mul3A_172 = arith.muli %add3A_152, %mul3A_171 : i32
      %add3A_173 = arith.constant 48 : i32
      %add3A_174 = arith.addi %mul3A_172, %add3A_173 : i32
      %get3A_175 = arith.index_cast %add3A_174 : i32 to index
      %get3A_176 = tpu.vector_load %arg5[%get3A_175] {strides = array<i32>} : memref<10080xi32, #tpu.memory_space<vmem>>, vector<16xi32>,
      tpu.vector_store_idx %arg4[%get3A_176], %broadcast_in_dim3A_17 {add = true} : memref<10112xf32, #tpu.memory_space<vmem>>[vector<16xi32>], vector<16xf32>,
      %mul3A_177 = arith.constant 96 : i32
      %mul3A_178 = arith.muli %add3A_152, %mul3A_177 : i32
      %add3A_179 = arith.constant 64 : i32
      %add3A_180 = arith.addi %mul3A_178, %add3A_179 : i32
      %get3A_181 = arith.index_cast %add3A_180 : i32 to index
      %get3A_182 = tpu.vector_load %arg5[%get3A_181] {strides = array<i32>} : memref<10080xi32, #tpu.memory_space<vmem>>, vector<16xi32>,
      tpu.vector_store_idx %arg4[%get3A_182], %broadcast_in_dim3A_17 {add = true} : memref<10112xf32, #tpu.memory_space<vmem>>[vector<16xi32>], vector<16xf32>,
      %mul3A_183 = arith.constant 96 : i32
      %mul3A_184 = arith.muli %add3A_152, %mul3A_183 : i32
      %add3A_185 = arith.constant 80 : i32
      %add3A_186 = arith.addi %mul3A_184, %add3A_185 : i32
      %get3A_187 = arith.index_cast %add3A_186 : i32 to index
      %get3A_188 = tpu.vector_load %arg5[%get3A_187] {strides = array<i32>} : memref<10080xi32, #tpu.memory_space<vmem>>, vector<16xi32>,
      tpu.vector_store_idx %arg4[%get3A_188], %broadcast_in_dim3A_17 {add = true} : memref<10112xf32, #tpu.memory_space<vmem>>[vector<16xi32>], vector<16xf32>,
      %scan3A_189 = arith.constant 3 : i32
      %scan3A_190 = arith.addi %scan3A_64, %scan3A_189 : i32
      %mul3A_191 = arith.constant 1 : i32
      %mul3A_192 = arith.muli %scan3A_190, %mul3A_191 : i32
      %add3A_193 = arith.constant 0 : i32
      %add3A_194 = arith.addi %add3A_193, %mul3A_192 : i32
      %mul3A_195 = arith.constant 96 : i32
      %mul3A_196 = arith.muli %add3A_194, %mul3A_195 : i32
      %add3A_197 = arith.constant 0 : i32
      %add3A_198 = arith.addi %mul3A_196, %add3A_197 : i32
      %get3A_199 = arith.index_cast %add3A_198 : i32 to index
      %get3A_200 = tpu.vector_load %arg5[%get3A_199] {strides = array<i32>} : memref<10080xi32, #tpu.memory_space<vmem>>, vector<16xi32>,
      tpu.vector_store_idx %arg4[%get3A_200], %broadcast_in_dim3A_17 {add = true} : memref<10112xf32, #tpu.memory_space<vmem>>[vector<16xi32>], vector<16xf32>,
      %mul3A_201 = arith.constant 96 : i32
      %mul3A_202 = arith.muli %add3A_194, %mul3A_201 : i32
      %add3A_203 = arith.constant 16 : i32
      %add3A_204 = arith.addi %mul3A_202, %add3A_203 : i32
      %get3A_205 = arith.index_cast %add3A_204 : i32 to index
      %get3A_206 = tpu.vector_load %arg5[%get3A_205] {strides = array<i32>} : memref<10080xi32, #tpu.memory_space<vmem>>, vector<16xi32>,
      tpu.vector_store_idx %arg4[%get3A_206], %broadcast_in_dim3A_17 {add = true} : memref<10112xf32, #tpu.memory_space<vmem>>[vector<16xi32>], vector<16xf32>,
      %mul3A_207 = arith.constant 96 : i32
      %mul3A_208 = arith.muli %add3A_194, %mul3A_207 : i32
      %add3A_209 = arith.constant 32 : i32
      %add3A_210 = arith.addi %mul3A_208, %add3A_209 : i32
      %get3A_211 = arith.index_cast %add3A_210 : i32 to index
      %get3A_212 = tpu.vector_load %arg5[%get3A_211] {strides = array<i32>} : memref<10080xi32, #tpu.memory_space<vmem>>, vector<16xi32>,
      tpu.vector_store_idx %arg4[%get3A_212], %broadcast_in_dim3A_17 {add = true} : memref<10112xf32, #tpu.memory_space<vmem>>[vector<16xi32>], vector<16xf32>,
      %mul3A_213 = arith.constant 96 : i32
      %mul3A_214 = arith.muli %add3A_194, %mul3A_213 : i32
      %add3A_215 = arith.constant 48 : i32
      %add3A_216 = arith.addi %mul3A_214, %add3A_215 : i32
      %get3A_217 = arith.index_cast %add3A_216 : i32 to index
      %get3A_218 = tpu.vector_load %arg5[%get3A_217] {strides = array<i32>} : memref<10080xi32, #tpu.memory_space<vmem>>, vector<16xi32>,
      tpu.vector_store_idx %arg4[%get3A_218], %broadcast_in_dim3A_17 {add = true} : memref<10112xf32, #tpu.memory_space<vmem>>[vector<16xi32>], vector<16xf32>,
      %mul3A_219 = arith.constant 96 : i32
      %mul3A_220 = arith.muli %add3A_194, %mul3A_219 : i32
      %add3A_221 = arith.constant 64 : i32
      %add3A_222 = arith.addi %mul3A_220, %add3A_221 : i32
      %get3A_223 = arith.index_cast %add3A_222 : i32 to index
      %get3A_224 = tpu.vector_load %arg5[%get3A_223] {strides = array<i32>} : memref<10080xi32, #tpu.memory_space<vmem>>, vector<16xi32>,
      tpu.vector_store_idx %arg4[%get3A_224], %broadcast_in_dim3A_17 {add = true} : memref<10112xf32, #tpu.memory_space<vmem>>[vector<16xi32>], vector<16xf32>,
      %mul3A_225 = arith.constant 96 : i32
      %mul3A_226 = arith.muli %add3A_194, %mul3A_225 : i32
      %add3A_227 = arith.constant 80 : i32
      %add3A_228 = arith.addi %mul3A_226, %add3A_227 : i32
      %get3A_229 = arith.index_cast %add3A_228 : i32 to index
      %get3A_230 = tpu.vector_load %arg5[%get3A_229] {strides = array<i32>} : memref<10080xi32, #tpu.memory_space<vmem>>, vector<16xi32>,
      tpu.vector_store_idx %arg4[%get3A_230], %broadcast_in_dim3A_17 {add = true} : memref<10112xf32, #tpu.memory_space<vmem>>[vector<16xi32>], vector<16xf32>,
    }
    %scan3A_22 = arith.constant 104 : i32
    %scan3A_23 = arith.addi %scan3A_18, %scan3A_22 : i32
    %mul3A_24 = arith.constant 1 : i32
    %mul3A_25 = arith.muli %scan3A_23, %mul3A_24 : i32
    %add3A_26 = arith.constant 0 : i32
    %add3A_27 = arith.addi %add3A_26, %mul3A_25 : i32
    %mul3A_28 = arith.constant 96 : i32
    %mul3A_29 = arith.muli %add3A_27, %mul3A_28 : i32
    %add3A_30 = arith.constant 0 : i32
    %add3A_31 = arith.addi %mul3A_29, %add3A_30 : i32
    %get3A = arith.index_cast %add3A_31 : i32 to index
    %get3A_32 = tpu.vector_load %arg5[%get3A] {strides = array<i32>} : memref<10080xi32, #tpu.memory_space<vmem>>, vector<16xi32>,
    tpu.vector_store_idx %arg4[%get3A_32], %broadcast_in_dim3A_17 {add = true} : memref<10112xf32, #tpu.memory_space<vmem>>[vector<16xi32>], vector<16xf32>,
    %mul3A_33 = arith.constant 96 : i32
    %mul3A_34 = arith.muli %add3A_27, %mul3A_33 : i32
    %add3A_35 = arith.constant 16 : i32
    %add3A_36 = arith.addi %mul3A_34, %add3A_35 : i32
    %get3A_37 = arith.index_cast %add3A_36 : i32 to index
    %get3A_38 = tpu.vector_load %arg5[%get3A_37] {strides = array<i32>} : memref<10080xi32, #tpu.memory_space<vmem>>, vector<16xi32>,
    tpu.vector_store_idx %arg4[%get3A_38], %broadcast_in_dim3A_17 {add = true} : memref<10112xf32, #tpu.memory_space<vmem>>[vector<16xi32>], vector<16xf32>,
    %mul3A_39 = arith.constant 96 : i32
    %mul3A_40 = arith.muli %add3A_27, %mul3A_39 : i32
    %add3A_41 = arith.constant 32 : i32
    %add3A_42 = arith.addi %mul3A_40, %add3A_41 : i32
    %get3A_43 = arith.index_cast %add3A_42 : i32 to index
    %get3A_44 = tpu.vector_load %arg5[%get3A_43] {strides = array<i32>} : memref<10080xi32, #tpu.memory_space<vmem>>, vector<16xi32>,
    tpu.vector_store_idx %arg4[%get3A_44], %broadcast_in_dim3A_17 {add = true} : memref<10112xf32, #tpu.memory_space<vmem>>[vector<16xi32>], vector<16xf32>,
    %mul3A_45 = arith.constant 96 : i32
    %mul3A_46 = arith.muli %add3A_27, %mul3A_45 : i32
    %add3A_47 = arith.constant 48 : i32
    %add3A_48 = arith.addi %mul3A_46, %add3A_47 : i32
    %get3A_49 = arith.index_cast %add3A_48 : i32 to index
    %get3A_50 = tpu.vector_load %arg5[%get3A_49] {strides = array<i32>} : memref<10080xi32, #tpu.memory_space<vmem>>, vector<16xi32>,
    tpu.vector_store_idx %arg4[%get3A_50], %broadcast_in_dim3A_17 {add = true} : memref<10112xf32, #tpu.memory_space<vmem>>[vector<16xi32>], vector<16xf32>,
    %mul3A_51 = arith.constant 96 : i32
    %mul3A_52 = arith.muli %add3A_27, %mul3A_51 : i32
    %add3A_53 = arith.constant 64 : i32
    %add3A_54 = arith.addi %mul3A_52, %add3A_53 : i32
    %get3A_55 = arith.index_cast %add3A_54 : i32 to index
    %get3A_56 = tpu.vector_load %arg5[%get3A_55] {strides = array<i32>} : memref<10080xi32, #tpu.memory_space<vmem>>, vector<16xi32>,
    tpu.vector_store_idx %arg4[%get3A_56], %broadcast_in_dim3A_17 {add = true} : memref<10112xf32, #tpu.memory_space<vmem>>[vector<16xi32>], vector<16xf32>,
    %mul3A_57 = arith.constant 96 : i32
    %mul3A_58 = arith.muli %add3A_27, %mul3A_57 : i32
    %add3A_59 = arith.constant 80 : i32
    %add3A_60 = arith.addi %mul3A_58, %add3A_59 : i32
    %get3A_61 = arith.index_cast %add3A_60 : i32 to index
    %get3A_62 = tpu.vector_load %arg5[%get3A_61] {strides = array<i32>} : memref<10080xi32, #tpu.memory_space<vmem>>, vector<16xi32>,
    tpu.vector_store_idx %arg4[%get3A_62], %broadcast_in_dim3A_17 {add = true} : memref<10112xf32, #tpu.memory_space<vmem>>[vector<16xi32>], vector<16xf32>,
    %scan3A_63 = arith.constant 105 : i32
    "tpu.region"() ({
      %run_scoped3A = tpu.sem_alloc : memref<!tpu.dma_semaphore, #tpu.memory_space<semaphore_mem>>
      %dma_start3A_64 = arith.constant 0 : i32
      %dma_start3A_65 = tpu.memref_slice %arg3[%add3A, %dma_start3A_64] : memref<32x10112xf32, #tpu.memory_space<hbm>> -> memref<1x10112xf32, #tpu.memory_space<hbm>>
      %dma_start3A_66 = tpu.memref_squeeze %dma_start3A_65 : memref<1x10112xf32, #tpu.memory_space<hbm>> -> memref<10112xf32, #tpu.memory_space<hbm>>
      %dma_start3A_67 = arith.constant 0 : i32
      %dma_start3A_68 = tpu.memref_slice %arg3[%add3A, %dma_start3A_67] : memref<32x10112xf32, #tpu.memory_space<hbm>> -> memref<1x10112xf32, #tpu.memory_space<hbm>>
      %dma_start3A_69 = tpu.memref_squeeze %dma_start3A_68 : memref<1x10112xf32, #tpu.memory_space<hbm>> -> memref<10112xf32, #tpu.memory_space<hbm>>
      tpu.enqueue_dma source(%arg4 : memref<10112xf32, #tpu.memory_space<vmem>>) target(%dma_start3A_69 : memref<10112xf32, #tpu.memory_space<hbm>>) target_semaphore(%run_scoped3A : memref<!tpu.dma_semaphore, #tpu.memory_space<semaphore_mem>>)
      %dma_wait3A_70 = arith.constant 0 : i32
      %dma_wait3A_71 = tpu.memref_slice %arg3[%add3A, %dma_wait3A_70] : memref<32x10112xf32, #tpu.memory_space<hbm>> -> memref<1x10112xf32, #tpu.memory_space<hbm>>
      %dma_wait3A_72 = tpu.memref_squeeze %dma_wait3A_71 : memref<1x10112xf32, #tpu.memory_space<hbm>> -> memref<10112xf32, #tpu.memory_space<hbm>>
      %dma_wait3A_73 = arith.constant 0 : i32
      %dma_wait3A_74 = tpu.memref_slice %arg3[%add3A, %dma_wait3A_73] : memref<32x10112xf32, #tpu.memory_space<hbm>> -> memref<1x10112xf32, #tpu.memory_space<hbm>>
      %dma_wait3A_75 = tpu.memref_squeeze %dma_wait3A_74 : memref<1x10112xf32, #tpu.memory_space<hbm>> -> memref<10112xf32, #tpu.memory_space<hbm>>
      tpu.wait_dma2 semaphore(%run_scoped3A : memref<!tpu.dma_semaphore, #tpu.memory_space<semaphore_mem>>) src(%arg4 : memref<10112xf32, #tpu.memory_space<vmem>>) dst(%dma_wait3A_75 : memref<10112xf32, #tpu.memory_space<hbm>>)
      tpu.yield
    }) : () -> ()
    return
  }
}

#map = affine_map<(d0, d1) -> (0, 0)>
#map1 = affine_map<(d0, d1) -> (0)>
#map2 = affine_map<(d0, d1) -> (0, 0, 0)>
module attributes {stable_mosaic.version = 14 : i64} {
  func.func @_edge_kernel(%arg0: i32, %arg1: i32, %arg2: memref<10112x128xf32, #tpu.memory_space<hbm>>, %arg3: memref<322560xi32, #tpu.memory_space<hbm>>, %arg4: memref<322560xi32, #tpu.memory_space<hbm>>, %arg5: memref<2x10112x128xf32, #tpu.memory_space<hbm>>, %arg6: memref<10112x128xf32, #tpu.memory_space<vmem_shared>>, %arg7: memref<96xi32, #tpu.memory_space<vmem>>, %arg8: memref<96xi32, #tpu.memory_space<vmem>>, %arg9: memref<96xi32, #tpu.memory_space<vmem>>, %arg10: memref<96xi32, #tpu.memory_space<vmem>>, %arg11: memref<96xi32, #tpu.memory_space<vmem>>, %arg12: memref<96xi32, #tpu.memory_space<vmem>>, %arg13: memref<96xi32, #tpu.memory_space<vmem>>, %arg14: memref<96xi32, #tpu.memory_space<vmem>>, %arg15: memref<96x128xf32, #tpu.memory_space<vmem>>, %arg16: memref<96x128xf32, #tpu.memory_space<vmem>>, %arg17: memref<96x128xf32, #tpu.memory_space<vmem>>, %arg18: memref<96x128xf32, #tpu.memory_space<vmem>>, %arg19: memref<!tpu.dma_semaphore, #tpu.memory_space<semaphore_mem>>, %arg20: memref<!tpu.dma_semaphore, #tpu.memory_space<semaphore_mem>>, %arg21: memref<!tpu.dma_semaphore, #tpu.memory_space<semaphore_mem>>, %arg22: memref<!tpu.dma_semaphore, #tpu.memory_space<semaphore_mem>>, %arg23: memref<!tpu.dma_semaphore, #tpu.memory_space<semaphore_mem>>, %arg24: memref<!tpu.dma_semaphore, #tpu.memory_space<semaphore_mem>>, %arg25: memref<!tpu.dma_semaphore, #tpu.memory_space<semaphore_mem>>, %arg26: memref<!tpu.dma_semaphore, #tpu.memory_space<semaphore_mem>>, %arg27: memref<!tpu.dma_semaphore, #tpu.memory_space<semaphore_mem>>, %arg28: memref<!tpu.dma_semaphore, #tpu.memory_space<semaphore_mem>>, %arg29: memref<!tpu.dma_semaphore, #tpu.memory_space<semaphore_mem>>, %arg30: memref<!tpu.dma_semaphore, #tpu.memory_space<semaphore_mem>>) attributes {dimension_semantics = [#tpu.dimension_semantics<core_parallel>, #tpu.dimension_semantics<subcore_parallel>], iteration_bounds = array<i64: 2, 16>, scalar_prefetch = 0 : i64, scratch_operands = 25 : i64, tpu.core_type = #tpu.core_type<sc_vector_subcore>, window_params = [{transform_indices = #map}, {transform_indices = #map1}, {transform_indices = #map1}, {transform_indices = #map2}]} {
    %mul3A = arith.constant 2 : i32
    %mul3A_0 = arith.muli %arg1, %mul3A : i32
    %add3A = arith.addi %mul3A_0, %arg0 : i32
    %mul3A_1 = arith.constant 632 : i32
    %mul3A_2 = arith.muli %arg1, %mul3A_1 : i32
    %broadcast_in_dim3A = arith.constant 0.000000e+00 : f32
    %broadcast_in_dim3A_3 = vector.broadcast %broadcast_in_dim3A : f32 to vector<16xf32>
    %scan3A = arith.constant 0 : i32
    %scan3A_4 = arith.constant 96 : i32
    %scan3A_5 = arith.addi %scan3A, %scan3A_4 : i32
    %scan3A_6 = arith.constant 1 : i32
    scf.for %scan3A_258 = %scan3A to %scan3A_5 step %scan3A_6  : i32 {
      %mul3A_259 = arith.constant 1 : i32
      %mul3A_260 = arith.muli %scan3A_258, %mul3A_259 : i32
      %add3A_261 = arith.constant 0 : i32
      %add3A_262 = arith.addi %add3A_261, %mul3A_260 : i32
      %swap3A = arith.index_cast %add3A_262 : i32 to index
      %swap3A_263 = arith.constant 0 : index
      %swap3A_264 = tpu.vector_load %arg15[%swap3A, %swap3A_263] {strides = array<i32>} : memref<96x128xf32, #tpu.memory_space<vmem>>, vector<16xf32>,
      tpu.vector_store %arg15[%swap3A, %swap3A_263], %broadcast_in_dim3A_3 {strides = array<i32>} : memref<96x128xf32, #tpu.memory_space<vmem>>, vector<16xf32>,
      %swap3A_265 = arith.index_cast %add3A_262 : i32 to index
      %swap3A_266 = arith.constant 16 : index
      %swap3A_267 = tpu.vector_load %arg15[%swap3A_265, %swap3A_266] {strides = array<i32>} : memref<96x128xf32, #tpu.memory_space<vmem>>, vector<16xf32>,
      tpu.vector_store %arg15[%swap3A_265, %swap3A_266], %broadcast_in_dim3A_3 {strides = array<i32>} : memref<96x128xf32, #tpu.memory_space<vmem>>, vector<16xf32>,
      %swap3A_268 = arith.index_cast %add3A_262 : i32 to index
      %swap3A_269 = arith.constant 32 : index
      %swap3A_270 = tpu.vector_load %arg15[%swap3A_268, %swap3A_269] {strides = array<i32>} : memref<96x128xf32, #tpu.memory_space<vmem>>, vector<16xf32>,
      tpu.vector_store %arg15[%swap3A_268, %swap3A_269], %broadcast_in_dim3A_3 {strides = array<i32>} : memref<96x128xf32, #tpu.memory_space<vmem>>, vector<16xf32>,
      %swap3A_271 = arith.index_cast %add3A_262 : i32 to index
      %swap3A_272 = arith.constant 48 : index
      %swap3A_273 = tpu.vector_load %arg15[%swap3A_271, %swap3A_272] {strides = array<i32>} : memref<96x128xf32, #tpu.memory_space<vmem>>, vector<16xf32>,
      tpu.vector_store %arg15[%swap3A_271, %swap3A_272], %broadcast_in_dim3A_3 {strides = array<i32>} : memref<96x128xf32, #tpu.memory_space<vmem>>, vector<16xf32>,
      %swap3A_274 = arith.index_cast %add3A_262 : i32 to index
      %swap3A_275 = arith.constant 64 : index
      %swap3A_276 = tpu.vector_load %arg15[%swap3A_274, %swap3A_275] {strides = array<i32>} : memref<96x128xf32, #tpu.memory_space<vmem>>, vector<16xf32>,
      tpu.vector_store %arg15[%swap3A_274, %swap3A_275], %broadcast_in_dim3A_3 {strides = array<i32>} : memref<96x128xf32, #tpu.memory_space<vmem>>, vector<16xf32>,
      %swap3A_277 = arith.index_cast %add3A_262 : i32 to index
      %swap3A_278 = arith.constant 80 : index
      %swap3A_279 = tpu.vector_load %arg15[%swap3A_277, %swap3A_278] {strides = array<i32>} : memref<96x128xf32, #tpu.memory_space<vmem>>, vector<16xf32>,
      tpu.vector_store %arg15[%swap3A_277, %swap3A_278], %broadcast_in_dim3A_3 {strides = array<i32>} : memref<96x128xf32, #tpu.memory_space<vmem>>, vector<16xf32>,
      %swap3A_280 = arith.index_cast %add3A_262 : i32 to index
      %swap3A_281 = arith.constant 96 : index
      %swap3A_282 = tpu.vector_load %arg15[%swap3A_280, %swap3A_281] {strides = array<i32>} : memref<96x128xf32, #tpu.memory_space<vmem>>, vector<16xf32>,
      tpu.vector_store %arg15[%swap3A_280, %swap3A_281], %broadcast_in_dim3A_3 {strides = array<i32>} : memref<96x128xf32, #tpu.memory_space<vmem>>, vector<16xf32>,
      %swap3A_283 = arith.index_cast %add3A_262 : i32 to index
      %swap3A_284 = arith.constant 112 : index
      %swap3A_285 = tpu.vector_load %arg15[%swap3A_283, %swap3A_284] {strides = array<i32>} : memref<96x128xf32, #tpu.memory_space<vmem>>, vector<16xf32>,
      tpu.vector_store %arg15[%swap3A_283, %swap3A_284], %broadcast_in_dim3A_3 {strides = array<i32>} : memref<96x128xf32, #tpu.memory_space<vmem>>, vector<16xf32>,
    }
    %scan3A_7 = arith.constant 96 : i32
    %add3A_8 = arith.constant 0 : i32
    %add3A_9 = arith.addi %mul3A_2, %add3A_8 : i32
    %dma_start3A = arith.constant 0 : i32
    %dma_start3A_10 = tpu.memref_slice %arg6[%add3A_9, %dma_start3A] : memref<10112x128xf32, #tpu.memory_space<vmem_shared>> -> memref<96x128xf32, #tpu.memory_space<vmem_shared>>
    %dma_start3A_11 = arith.constant 0 : i32
    %dma_start3A_12 = tpu.memref_slice %arg6[%add3A_9, %dma_start3A_11] : memref<10112x128xf32, #tpu.memory_space<vmem_shared>> -> memref<96x128xf32, #tpu.memory_space<vmem_shared>>
    tpu.enqueue_dma source(%arg15 : memref<96x128xf32, #tpu.memory_space<vmem>>) target(%dma_start3A_12 : memref<96x128xf32, #tpu.memory_space<vmem_shared>>) target_semaphore(%arg27 : memref<!tpu.dma_semaphore, #tpu.memory_space<semaphore_mem>>)
    %add3A_13 = arith.constant 96 : i32
    %add3A_14 = arith.addi %mul3A_2, %add3A_13 : i32
    %dma_start3A_15 = arith.constant 0 : i32
    %dma_start3A_16 = tpu.memref_slice %arg6[%add3A_14, %dma_start3A_15] : memref<10112x128xf32, #tpu.memory_space<vmem_shared>> -> memref<96x128xf32, #tpu.memory_space<vmem_shared>>
    %dma_start3A_17 = arith.constant 0 : i32
    %dma_start3A_18 = tpu.memref_slice %arg6[%add3A_14, %dma_start3A_17] : memref<10112x128xf32, #tpu.memory_space<vmem_shared>> -> memref<96x128xf32, #tpu.memory_space<vmem_shared>>
    tpu.enqueue_dma source(%arg15 : memref<96x128xf32, #tpu.memory_space<vmem>>) target(%dma_start3A_18 : memref<96x128xf32, #tpu.memory_space<vmem_shared>>) target_semaphore(%arg27 : memref<!tpu.dma_semaphore, #tpu.memory_space<semaphore_mem>>)
    %add3A_19 = arith.constant 192 : i32
    %add3A_20 = arith.addi %mul3A_2, %add3A_19 : i32
    %dma_start3A_21 = arith.constant 0 : i32
    %dma_start3A_22 = tpu.memref_slice %arg6[%add3A_20, %dma_start3A_21] : memref<10112x128xf32, #tpu.memory_space<vmem_shared>> -> memref<96x128xf32, #tpu.memory_space<vmem_shared>>
    %dma_start3A_23 = arith.constant 0 : i32
    %dma_start3A_24 = tpu.memref_slice %arg6[%add3A_20, %dma_start3A_23] : memref<10112x128xf32, #tpu.memory_space<vmem_shared>> -> memref<96x128xf32, #tpu.memory_space<vmem_shared>>
    tpu.enqueue_dma source(%arg15 : memref<96x128xf32, #tpu.memory_space<vmem>>) target(%dma_start3A_24 : memref<96x128xf32, #tpu.memory_space<vmem_shared>>) target_semaphore(%arg27 : memref<!tpu.dma_semaphore, #tpu.memory_space<semaphore_mem>>)
    %add3A_25 = arith.constant 288 : i32
    %add3A_26 = arith.addi %mul3A_2, %add3A_25 : i32
    %dma_start3A_27 = arith.constant 0 : i32
    %dma_start3A_28 = tpu.memref_slice %arg6[%add3A_26, %dma_start3A_27] : memref<10112x128xf32, #tpu.memory_space<vmem_shared>> -> memref<96x128xf32, #tpu.memory_space<vmem_shared>>
    %dma_start3A_29 = arith.constant 0 : i32
    %dma_start3A_30 = tpu.memref_slice %arg6[%add3A_26, %dma_start3A_29] : memref<10112x128xf32, #tpu.memory_space<vmem_shared>> -> memref<96x128xf32, #tpu.memory_space<vmem_shared>>
    tpu.enqueue_dma source(%arg15 : memref<96x128xf32, #tpu.memory_space<vmem>>) target(%dma_start3A_30 : memref<96x128xf32, #tpu.memory_space<vmem_shared>>) target_semaphore(%arg27 : memref<!tpu.dma_semaphore, #tpu.memory_space<semaphore_mem>>)
    %add3A_31 = arith.constant 384 : i32
    %add3A_32 = arith.addi %mul3A_2, %add3A_31 : i32
    %dma_start3A_33 = arith.constant 0 : i32
    %dma_start3A_34 = tpu.memref_slice %arg6[%add3A_32, %dma_start3A_33] : memref<10112x128xf32, #tpu.memory_space<vmem_shared>> -> memref<96x128xf32, #tpu.memory_space<vmem_shared>>
    %dma_start3A_35 = arith.constant 0 : i32
    %dma_start3A_36 = tpu.memref_slice %arg6[%add3A_32, %dma_start3A_35] : memref<10112x128xf32, #tpu.memory_space<vmem_shared>> -> memref<96x128xf32, #tpu.memory_space<vmem_shared>>
    tpu.enqueue_dma source(%arg15 : memref<96x128xf32, #tpu.memory_space<vmem>>) target(%dma_start3A_36 : memref<96x128xf32, #tpu.memory_space<vmem_shared>>) target_semaphore(%arg27 : memref<!tpu.dma_semaphore, #tpu.memory_space<semaphore_mem>>)
    %add3A_37 = arith.constant 480 : i32
    %add3A_38 = arith.addi %mul3A_2, %add3A_37 : i32
    %dma_start3A_39 = arith.constant 0 : i32
    %dma_start3A_40 = tpu.memref_slice %arg6[%add3A_38, %dma_start3A_39] : memref<10112x128xf32, #tpu.memory_space<vmem_shared>> -> memref<96x128xf32, #tpu.memory_space<vmem_shared>>
    %dma_start3A_41 = arith.constant 0 : i32
    %dma_start3A_42 = tpu.memref_slice %arg6[%add3A_38, %dma_start3A_41] : memref<10112x128xf32, #tpu.memory_space<vmem_shared>> -> memref<96x128xf32, #tpu.memory_space<vmem_shared>>
    tpu.enqueue_dma source(%arg15 : memref<96x128xf32, #tpu.memory_space<vmem>>) target(%dma_start3A_42 : memref<96x128xf32, #tpu.memory_space<vmem_shared>>) target_semaphore(%arg27 : memref<!tpu.dma_semaphore, #tpu.memory_space<semaphore_mem>>)
    %add3A_43 = arith.constant 576 : i32
    %add3A_44 = arith.addi %mul3A_2, %add3A_43 : i32
    %dma_start3A_45 = arith.constant 0 : i32
    %dma_start3A_46 = arith.constant 0 : i32
    %dma_start3A_47 = tpu.memref_slice %arg15[%dma_start3A_45, %dma_start3A_46] : memref<96x128xf32, #tpu.memory_space<vmem>> -> memref<56x128xf32, #tpu.memory_space<vmem>>
    %dma_start3A_48 = arith.constant 0 : i32
    %dma_start3A_49 = tpu.memref_slice %arg6[%add3A_44, %dma_start3A_48] : memref<10112x128xf32, #tpu.memory_space<vmem_shared>> -> memref<56x128xf32, #tpu.memory_space<vmem_shared>>
    %dma_start3A_50 = arith.constant 0 : i32
    %dma_start3A_51 = tpu.memref_slice %arg6[%add3A_44, %dma_start3A_50] : memref<10112x128xf32, #tpu.memory_space<vmem_shared>> -> memref<56x128xf32, #tpu.memory_space<vmem_shared>>
    %dma_start3A_52 = arith.constant 0 : i32
    %dma_start3A_53 = arith.constant 0 : i32
    %dma_start3A_54 = tpu.memref_slice %arg15[%dma_start3A_52, %dma_start3A_53] : memref<96x128xf32, #tpu.memory_space<vmem>> -> memref<56x128xf32, #tpu.memory_space<vmem>>
    tpu.enqueue_dma source(%dma_start3A_54 : memref<56x128xf32, #tpu.memory_space<vmem>>) target(%dma_start3A_51 : memref<56x128xf32, #tpu.memory_space<vmem_shared>>) target_semaphore(%arg27 : memref<!tpu.dma_semaphore, #tpu.memory_space<semaphore_mem>>)
    %add3A_55 = arith.constant 0 : i32
    %add3A_56 = arith.addi %mul3A_2, %add3A_55 : i32
    %dma_wait3A = arith.constant 0 : i32
    %dma_wait3A_57 = tpu.memref_slice %arg6[%add3A_56, %dma_wait3A] : memref<10112x128xf32, #tpu.memory_space<vmem_shared>> -> memref<96x128xf32, #tpu.memory_space<vmem_shared>>
    %dma_wait3A_58 = arith.constant 0 : i32
    %dma_wait3A_59 = tpu.memref_slice %arg6[%add3A_56, %dma_wait3A_58] : memref<10112x128xf32, #tpu.memory_space<vmem_shared>> -> memref<96x128xf32, #tpu.memory_space<vmem_shared>>
    tpu.wait_dma2 semaphore(%arg27 : memref<!tpu.dma_semaphore, #tpu.memory_space<semaphore_mem>>) src(%arg15 : memref<96x128xf32, #tpu.memory_space<vmem>>) dst(%dma_wait3A_59 : memref<96x128xf32, #tpu.memory_space<vmem_shared>>)
    %add3A_60 = arith.constant 96 : i32
    %add3A_61 = arith.addi %mul3A_2, %add3A_60 : i32
    %dma_wait3A_62 = arith.constant 0 : i32
    %dma_wait3A_63 = tpu.memref_slice %arg6[%add3A_61, %dma_wait3A_62] : memref<10112x128xf32, #tpu.memory_space<vmem_shared>> -> memref<96x128xf32, #tpu.memory_space<vmem_shared>>
    %dma_wait3A_64 = arith.constant 0 : i32
    %dma_wait3A_65 = tpu.memref_slice %arg6[%add3A_61, %dma_wait3A_64] : memref<10112x128xf32, #tpu.memory_space<vmem_shared>> -> memref<96x128xf32, #tpu.memory_space<vmem_shared>>
    tpu.wait_dma2 semaphore(%arg27 : memref<!tpu.dma_semaphore, #tpu.memory_space<semaphore_mem>>) src(%arg15 : memref<96x128xf32, #tpu.memory_space<vmem>>) dst(%dma_wait3A_65 : memref<96x128xf32, #tpu.memory_space<vmem_shared>>)
    %add3A_66 = arith.constant 192 : i32
    %add3A_67 = arith.addi %mul3A_2, %add3A_66 : i32
    %dma_wait3A_68 = arith.constant 0 : i32
    %dma_wait3A_69 = tpu.memref_slice %arg6[%add3A_67, %dma_wait3A_68] : memref<10112x128xf32, #tpu.memory_space<vmem_shared>> -> memref<96x128xf32, #tpu.memory_space<vmem_shared>>
    %dma_wait3A_70 = arith.constant 0 : i32
    %dma_wait3A_71 = tpu.memref_slice %arg6[%add3A_67, %dma_wait3A_70] : memref<10112x128xf32, #tpu.memory_space<vmem_shared>> -> memref<96x128xf32, #tpu.memory_space<vmem_shared>>
    tpu.wait_dma2 semaphore(%arg27 : memref<!tpu.dma_semaphore, #tpu.memory_space<semaphore_mem>>) src(%arg15 : memref<96x128xf32, #tpu.memory_space<vmem>>) dst(%dma_wait3A_71 : memref<96x128xf32, #tpu.memory_space<vmem_shared>>)
    %add3A_72 = arith.constant 288 : i32
    %add3A_73 = arith.addi %mul3A_2, %add3A_72 : i32
    %dma_wait3A_74 = arith.constant 0 : i32
    %dma_wait3A_75 = tpu.memref_slice %arg6[%add3A_73, %dma_wait3A_74] : memref<10112x128xf32, #tpu.memory_space<vmem_shared>> -> memref<96x128xf32, #tpu.memory_space<vmem_shared>>
    %dma_wait3A_76 = arith.constant 0 : i32
    %dma_wait3A_77 = tpu.memref_slice %arg6[%add3A_73, %dma_wait3A_76] : memref<10112x128xf32, #tpu.memory_space<vmem_shared>> -> memref<96x128xf32, #tpu.memory_space<vmem_shared>>
    tpu.wait_dma2 semaphore(%arg27 : memref<!tpu.dma_semaphore, #tpu.memory_space<semaphore_mem>>) src(%arg15 : memref<96x128xf32, #tpu.memory_space<vmem>>) dst(%dma_wait3A_77 : memref<96x128xf32, #tpu.memory_space<vmem_shared>>)
    %add3A_78 = arith.constant 384 : i32
    %add3A_79 = arith.addi %mul3A_2, %add3A_78 : i32
    %dma_wait3A_80 = arith.constant 0 : i32
    %dma_wait3A_81 = tpu.memref_slice %arg6[%add3A_79, %dma_wait3A_80] : memref<10112x128xf32, #tpu.memory_space<vmem_shared>> -> memref<96x128xf32, #tpu.memory_space<vmem_shared>>
    %dma_wait3A_82 = arith.constant 0 : i32
    %dma_wait3A_83 = tpu.memref_slice %arg6[%add3A_79, %dma_wait3A_82] : memref<10112x128xf32, #tpu.memory_space<vmem_shared>> -> memref<96x128xf32, #tpu.memory_space<vmem_shared>>
    tpu.wait_dma2 semaphore(%arg27 : memref<!tpu.dma_semaphore, #tpu.memory_space<semaphore_mem>>) src(%arg15 : memref<96x128xf32, #tpu.memory_space<vmem>>) dst(%dma_wait3A_83 : memref<96x128xf32, #tpu.memory_space<vmem_shared>>)
    %add3A_84 = arith.constant 480 : i32
    %add3A_85 = arith.addi %mul3A_2, %add3A_84 : i32
    %dma_wait3A_86 = arith.constant 0 : i32
    %dma_wait3A_87 = tpu.memref_slice %arg6[%add3A_85, %dma_wait3A_86] : memref<10112x128xf32, #tpu.memory_space<vmem_shared>> -> memref<96x128xf32, #tpu.memory_space<vmem_shared>>
    %dma_wait3A_88 = arith.constant 0 : i32
    %dma_wait3A_89 = tpu.memref_slice %arg6[%add3A_85, %dma_wait3A_88] : memref<10112x128xf32, #tpu.memory_space<vmem_shared>> -> memref<96x128xf32, #tpu.memory_space<vmem_shared>>
    tpu.wait_dma2 semaphore(%arg27 : memref<!tpu.dma_semaphore, #tpu.memory_space<semaphore_mem>>) src(%arg15 : memref<96x128xf32, #tpu.memory_space<vmem>>) dst(%dma_wait3A_89 : memref<96x128xf32, #tpu.memory_space<vmem_shared>>)
    %add3A_90 = arith.constant 576 : i32
    %add3A_91 = arith.addi %mul3A_2, %add3A_90 : i32
    %dma_wait3A_92 = arith.constant 0 : i32
    %dma_wait3A_93 = arith.constant 0 : i32
    %dma_wait3A_94 = tpu.memref_slice %arg15[%dma_wait3A_92, %dma_wait3A_93] : memref<96x128xf32, #tpu.memory_space<vmem>> -> memref<56x128xf32, #tpu.memory_space<vmem>>
    %dma_wait3A_95 = arith.constant 0 : i32
    %dma_wait3A_96 = tpu.memref_slice %arg6[%add3A_91, %dma_wait3A_95] : memref<10112x128xf32, #tpu.memory_space<vmem_shared>> -> memref<56x128xf32, #tpu.memory_space<vmem_shared>>
    %dma_wait3A_97 = arith.constant 0 : i32
    %dma_wait3A_98 = tpu.memref_slice %arg6[%add3A_91, %dma_wait3A_97] : memref<10112x128xf32, #tpu.memory_space<vmem_shared>> -> memref<56x128xf32, #tpu.memory_space<vmem_shared>>
    %dma_wait3A_99 = arith.constant 0 : i32
    %dma_wait3A_100 = arith.constant 0 : i32
    %dma_wait3A_101 = tpu.memref_slice %arg15[%dma_wait3A_99, %dma_wait3A_100] : memref<96x128xf32, #tpu.memory_space<vmem>> -> memref<56x128xf32, #tpu.memory_space<vmem>>
    tpu.wait_dma2 semaphore(%arg27 : memref<!tpu.dma_semaphore, #tpu.memory_space<semaphore_mem>>) src(%dma_wait3A_101 : memref<56x128xf32, #tpu.memory_space<vmem>>) dst(%dma_wait3A_98 : memref<56x128xf32, #tpu.memory_space<vmem_shared>>)
    %barrier3A = arith.constant 0 : index
    tpu.barrier barrier_id(%barrier3A)
    %add3A_102 = arith.constant 0 : i32
    %add3A_103 = arith.addi %add3A, %add3A_102 : i32
    %mul3A_104 = arith.constant 96 : i32
    %mul3A_105 = arith.muli %add3A_103, %mul3A_104 : i32
    %dma_start3A_106 = tpu.memref_slice %arg3[%mul3A_105] : memref<322560xi32, #tpu.memory_space<hbm>> -> memref<96xi32, #tpu.memory_space<hbm>>
    %dma_start3A_107 = tpu.memref_slice %arg3[%mul3A_105] : memref<322560xi32, #tpu.memory_space<hbm>> -> memref<96xi32, #tpu.memory_space<hbm>>
    tpu.enqueue_dma source(%dma_start3A_107 : memref<96xi32, #tpu.memory_space<hbm>>) target(%arg7 : memref<96xi32, #tpu.memory_space<vmem>>) target_semaphore(%arg19 : memref<!tpu.dma_semaphore, #tpu.memory_space<semaphore_mem>>)
    %add3A_108 = arith.constant 0 : i32
    %add3A_109 = arith.addi %add3A, %add3A_108 : i32
    %mul3A_110 = arith.constant 96 : i32
    %mul3A_111 = arith.muli %add3A_109, %mul3A_110 : i32
    %dma_start3A_112 = tpu.memref_slice %arg4[%mul3A_111] : memref<322560xi32, #tpu.memory_space<hbm>> -> memref<96xi32, #tpu.memory_space<hbm>>
    %dma_start3A_113 = tpu.memref_slice %arg4[%mul3A_111] : memref<322560xi32, #tpu.memory_space<hbm>> -> memref<96xi32, #tpu.memory_space<hbm>>
    tpu.enqueue_dma source(%dma_start3A_113 : memref<96xi32, #tpu.memory_space<hbm>>) target(%arg11 : memref<96xi32, #tpu.memory_space<vmem>>) target_semaphore(%arg23 : memref<!tpu.dma_semaphore, #tpu.memory_space<semaphore_mem>>)
    %add3A_114 = arith.constant 32 : i32
    %add3A_115 = arith.addi %add3A, %add3A_114 : i32
    %mul3A_116 = arith.constant 96 : i32
    %mul3A_117 = arith.muli %add3A_115, %mul3A_116 : i32
    %dma_start3A_118 = tpu.memref_slice %arg3[%mul3A_117] : memref<322560xi32, #tpu.memory_space<hbm>> -> memref<96xi32, #tpu.memory_space<hbm>>
    %dma_start3A_119 = tpu.memref_slice %arg3[%mul3A_117] : memref<322560xi32, #tpu.memory_space<hbm>> -> memref<96xi32, #tpu.memory_space<hbm>>
    tpu.enqueue_dma source(%dma_start3A_119 : memref<96xi32, #tpu.memory_space<hbm>>) target(%arg8 : memref<96xi32, #tpu.memory_space<vmem>>) target_semaphore(%arg20 : memref<!tpu.dma_semaphore, #tpu.memory_space<semaphore_mem>>)
    %add3A_120 = arith.constant 32 : i32
    %add3A_121 = arith.addi %add3A, %add3A_120 : i32
    %mul3A_122 = arith.constant 96 : i32
    %mul3A_123 = arith.muli %add3A_121, %mul3A_122 : i32
    %dma_start3A_124 = tpu.memref_slice %arg4[%mul3A_123] : memref<322560xi32, #tpu.memory_space<hbm>> -> memref<96xi32, #tpu.memory_space<hbm>>
    %dma_start3A_125 = tpu.memref_slice %arg4[%mul3A_123] : memref<322560xi32, #tpu.memory_space<hbm>> -> memref<96xi32, #tpu.memory_space<hbm>>
    tpu.enqueue_dma source(%dma_start3A_125 : memref<96xi32, #tpu.memory_space<hbm>>) target(%arg12 : memref<96xi32, #tpu.memory_space<vmem>>) target_semaphore(%arg24 : memref<!tpu.dma_semaphore, #tpu.memory_space<semaphore_mem>>)
    %add3A_126 = arith.constant 64 : i32
    %add3A_127 = arith.addi %add3A, %add3A_126 : i32
    %mul3A_128 = arith.constant 96 : i32
    %mul3A_129 = arith.muli %add3A_127, %mul3A_128 : i32
    %dma_start3A_130 = tpu.memref_slice %arg3[%mul3A_129] : memref<322560xi32, #tpu.memory_space<hbm>> -> memref<96xi32, #tpu.memory_space<hbm>>
    %dma_start3A_131 = tpu.memref_slice %arg3[%mul3A_129] : memref<322560xi32, #tpu.memory_space<hbm>> -> memref<96xi32, #tpu.memory_space<hbm>>
    tpu.enqueue_dma source(%dma_start3A_131 : memref<96xi32, #tpu.memory_space<hbm>>) target(%arg9 : memref<96xi32, #tpu.memory_space<vmem>>) target_semaphore(%arg21 : memref<!tpu.dma_semaphore, #tpu.memory_space<semaphore_mem>>)
    %add3A_132 = arith.constant 64 : i32
    %add3A_133 = arith.addi %add3A, %add3A_132 : i32
    %mul3A_134 = arith.constant 96 : i32
    %mul3A_135 = arith.muli %add3A_133, %mul3A_134 : i32
    %dma_start3A_136 = tpu.memref_slice %arg4[%mul3A_135] : memref<322560xi32, #tpu.memory_space<hbm>> -> memref<96xi32, #tpu.memory_space<hbm>>
    %dma_start3A_137 = tpu.memref_slice %arg4[%mul3A_135] : memref<322560xi32, #tpu.memory_space<hbm>> -> memref<96xi32, #tpu.memory_space<hbm>>
    tpu.enqueue_dma source(%dma_start3A_137 : memref<96xi32, #tpu.memory_space<hbm>>) target(%arg13 : memref<96xi32, #tpu.memory_space<vmem>>) target_semaphore(%arg25 : memref<!tpu.dma_semaphore, #tpu.memory_space<semaphore_mem>>)
    %add3A_138 = arith.constant 96 : i32
    %add3A_139 = arith.addi %add3A, %add3A_138 : i32
    %mul3A_140 = arith.constant 96 : i32
    %mul3A_141 = arith.muli %add3A_139, %mul3A_140 : i32
    %dma_start3A_142 = tpu.memref_slice %arg3[%mul3A_141] : memref<322560xi32, #tpu.memory_space<hbm>> -> memref<96xi32, #tpu.memory_space<hbm>>
    %dma_start3A_143 = tpu.memref_slice %arg3[%mul3A_141] : memref<322560xi32, #tpu.memory_space<hbm>> -> memref<96xi32, #tpu.memory_space<hbm>>
    tpu.enqueue_dma source(%dma_start3A_143 : memref<96xi32, #tpu.memory_space<hbm>>) target(%arg10 : memref<96xi32, #tpu.memory_space<vmem>>) target_semaphore(%arg22 : memref<!tpu.dma_semaphore, #tpu.memory_space<semaphore_mem>>)
    %add3A_144 = arith.constant 96 : i32
    %add3A_145 = arith.addi %add3A, %add3A_144 : i32
    %mul3A_146 = arith.constant 96 : i32
    %mul3A_147 = arith.muli %add3A_145, %mul3A_146 : i32
    %dma_start3A_148 = tpu.memref_slice %arg4[%mul3A_147] : memref<322560xi32, #tpu.memory_space<hbm>> -> memref<96xi32, #tpu.memory_space<hbm>>
    %dma_start3A_149 = tpu.memref_slice %arg4[%mul3A_147] : memref<322560xi32, #tpu.memory_space<hbm>> -> memref<96xi32, #tpu.memory_space<hbm>>
    tpu.enqueue_dma source(%dma_start3A_149 : memref<96xi32, #tpu.memory_space<hbm>>) target(%arg14 : memref<96xi32, #tpu.memory_space<vmem>>) target_semaphore(%arg26 : memref<!tpu.dma_semaphore, #tpu.memory_space<semaphore_mem>>)
    %add3A_150 = arith.constant 0 : i32
    %add3A_151 = arith.addi %add3A, %add3A_150 : i32
    %mul3A_152 = arith.constant 96 : i32
    %mul3A_153 = arith.muli %add3A_151, %mul3A_152 : i32
    %dma_wait3A_154 = tpu.memref_slice %arg3[%mul3A_153] : memref<322560xi32, #tpu.memory_space<hbm>> -> memref<96xi32, #tpu.memory_space<hbm>>
    %dma_wait3A_155 = tpu.memref_slice %arg3[%mul3A_153] : memref<322560xi32, #tpu.memory_space<hbm>> -> memref<96xi32, #tpu.memory_space<hbm>>
    tpu.wait_dma2 semaphore(%arg19 : memref<!tpu.dma_semaphore, #tpu.memory_space<semaphore_mem>>) src(%dma_wait3A_155 : memref<96xi32, #tpu.memory_space<hbm>>) dst(%arg7 : memref<96xi32, #tpu.memory_space<vmem>>)
    %dma_start3A_156 = arith.constant 0 : i32
    %dma_start3A_157 = arith.constant 0 : i32
    %dma_start3A_158 = tpu.memref_slice %arg2[%dma_start3A_156, %dma_start3A_157] : memref<10112x128xf32, #tpu.memory_space<hbm>> -> memref<10112x128xf32, #tpu.memory_space<hbm>>
    tpu.enqueue_indirect_dma source(%dma_start3A_158 : memref<10112x128xf32, #tpu.memory_space<hbm>>) target(%arg15 : memref<96x128xf32, #tpu.memory_space<vmem>>) offsets(%arg7 : memref<96xi32, #tpu.memory_space<vmem>>) semaphore(%arg27 : memref<!tpu.dma_semaphore, #tpu.memory_space<semaphore_mem>>)
    %add3A_159 = arith.constant 32 : i32
    %add3A_160 = arith.addi %add3A, %add3A_159 : i32
    %mul3A_161 = arith.constant 96 : i32
    %mul3A_162 = arith.muli %add3A_160, %mul3A_161 : i32
    %dma_wait3A_163 = tpu.memref_slice %arg3[%mul3A_162] : memref<322560xi32, #tpu.memory_space<hbm>> -> memref<96xi32, #tpu.memory_space<hbm>>
    %dma_wait3A_164 = tpu.memref_slice %arg3[%mul3A_162] : memref<322560xi32, #tpu.memory_space<hbm>> -> memref<96xi32, #tpu.memory_space<hbm>>
    tpu.wait_dma2 semaphore(%arg20 : memref<!tpu.dma_semaphore, #tpu.memory_space<semaphore_mem>>) src(%dma_wait3A_164 : memref<96xi32, #tpu.memory_space<hbm>>) dst(%arg8 : memref<96xi32, #tpu.memory_space<vmem>>)
    %dma_start3A_165 = arith.constant 0 : i32
    %dma_start3A_166 = arith.constant 0 : i32
    %dma_start3A_167 = tpu.memref_slice %arg2[%dma_start3A_165, %dma_start3A_166] : memref<10112x128xf32, #tpu.memory_space<hbm>> -> memref<10112x128xf32, #tpu.memory_space<hbm>>
    tpu.enqueue_indirect_dma source(%dma_start3A_167 : memref<10112x128xf32, #tpu.memory_space<hbm>>) target(%arg16 : memref<96x128xf32, #tpu.memory_space<vmem>>) offsets(%arg8 : memref<96xi32, #tpu.memory_space<vmem>>) semaphore(%arg28 : memref<!tpu.dma_semaphore, #tpu.memory_space<semaphore_mem>>)
    %add3A_168 = arith.constant 64 : i32
    %add3A_169 = arith.addi %add3A, %add3A_168 : i32
    %mul3A_170 = arith.constant 96 : i32
    %mul3A_171 = arith.muli %add3A_169, %mul3A_170 : i32
    %dma_wait3A_172 = tpu.memref_slice %arg3[%mul3A_171] : memref<322560xi32, #tpu.memory_space<hbm>> -> memref<96xi32, #tpu.memory_space<hbm>>
    %dma_wait3A_173 = tpu.memref_slice %arg3[%mul3A_171] : memref<322560xi32, #tpu.memory_space<hbm>> -> memref<96xi32, #tpu.memory_space<hbm>>
    tpu.wait_dma2 semaphore(%arg21 : memref<!tpu.dma_semaphore, #tpu.memory_space<semaphore_mem>>) src(%dma_wait3A_173 : memref<96xi32, #tpu.memory_space<hbm>>) dst(%arg9 : memref<96xi32, #tpu.memory_space<vmem>>)
    %dma_start3A_174 = arith.constant 0 : i32
    %dma_start3A_175 = arith.constant 0 : i32
    %dma_start3A_176 = tpu.memref_slice %arg2[%dma_start3A_174, %dma_start3A_175] : memref<10112x128xf32, #tpu.memory_space<hbm>> -> memref<10112x128xf32, #tpu.memory_space<hbm>>
    tpu.enqueue_indirect_dma source(%dma_start3A_176 : memref<10112x128xf32, #tpu.memory_space<hbm>>) target(%arg17 : memref<96x128xf32, #tpu.memory_space<vmem>>) offsets(%arg9 : memref<96xi32, #tpu.memory_space<vmem>>) semaphore(%arg29 : memref<!tpu.dma_semaphore, #tpu.memory_space<semaphore_mem>>)
    %add3A_177 = arith.constant 96 : i32
    %add3A_178 = arith.addi %add3A, %add3A_177 : i32
    %mul3A_179 = arith.constant 96 : i32
    %mul3A_180 = arith.muli %add3A_178, %mul3A_179 : i32
    %dma_wait3A_181 = tpu.memref_slice %arg3[%mul3A_180] : memref<322560xi32, #tpu.memory_space<hbm>> -> memref<96xi32, #tpu.memory_space<hbm>>
    %dma_wait3A_182 = tpu.memref_slice %arg3[%mul3A_180] : memref<322560xi32, #tpu.memory_space<hbm>> -> memref<96xi32, #tpu.memory_space<hbm>>
    tpu.wait_dma2 semaphore(%arg22 : memref<!tpu.dma_semaphore, #tpu.memory_space<semaphore_mem>>) src(%dma_wait3A_182 : memref<96xi32, #tpu.memory_space<hbm>>) dst(%arg10 : memref<96xi32, #tpu.memory_space<vmem>>)
    %dma_start3A_183 = arith.constant 0 : i32
    %dma_start3A_184 = arith.constant 0 : i32
    %dma_start3A_185 = tpu.memref_slice %arg2[%dma_start3A_183, %dma_start3A_184] : memref<10112x128xf32, #tpu.memory_space<hbm>> -> memref<10112x128xf32, #tpu.memory_space<hbm>>
    tpu.enqueue_indirect_dma source(%dma_start3A_185 : memref<10112x128xf32, #tpu.memory_space<hbm>>) target(%arg18 : memref<96x128xf32, #tpu.memory_space<vmem>>) offsets(%arg10 : memref<96xi32, #tpu.memory_space<vmem>>) semaphore(%arg30 : memref<!tpu.dma_semaphore, #tpu.memory_space<semaphore_mem>>)
    %scan3A_186 = arith.constant 0 : i32
    %scan3A_187 = arith.constant 25 : i32
    %scan3A_188 = arith.addi %scan3A_186, %scan3A_187 : i32
    %scan3A_189 = arith.constant 1 : i32
    scf.for %scan3A_258 = %scan3A_186 to %scan3A_188 step %scan3A_189  : i32 {
      %mul3A_259 = arith.constant 4 : i32
      %mul3A_260 = arith.muli %scan3A_258, %mul3A_259 : i32
      %add3A_261 = arith.constant 0 : i32
      %add3A_262 = arith.addi %add3A_261, %mul3A_260 : i32
      %add3A_263 = arith.constant 0 : i32
      %add3A_264 = arith.addi %add3A_262, %add3A_263 : i32
      %dma_wait3A_265 = arith.constant 0 : i32
      %dma_wait3A_266 = arith.constant 0 : i32
      %dma_wait3A_267 = tpu.memref_slice %arg2[%dma_wait3A_265, %dma_wait3A_266] : memref<10112x128xf32, #tpu.memory_space<hbm>> -> memref<10112x128xf32, #tpu.memory_space<hbm>>
      tpu.wait_indirect_dma semaphore(%arg27 : memref<!tpu.dma_semaphore, #tpu.memory_space<semaphore_mem>>) src(%dma_wait3A_267 : memref<10112x128xf32, #tpu.memory_space<hbm>>) dst(%arg15 : memref<96x128xf32, #tpu.memory_space<vmem>>)
      %add3A_268 = arith.constant 4 : i32
      %add3A_269 = arith.addi %add3A_264, %add3A_268 : i32
      %mul3A_270 = arith.constant 32 : i32
      %mul3A_271 = arith.muli %add3A_269, %mul3A_270 : i32
      %add3A_272 = arith.addi %add3A, %mul3A_271 : i32
      %mul3A_273 = arith.constant 96 : i32
      %mul3A_274 = arith.muli %add3A_272, %mul3A_273 : i32
      %dma_start3A_275 = tpu.memref_slice %arg3[%mul3A_274] : memref<322560xi32, #tpu.memory_space<hbm>> -> memref<96xi32, #tpu.memory_space<hbm>>
      %dma_start3A_276 = tpu.memref_slice %arg3[%mul3A_274] : memref<322560xi32, #tpu.memory_space<hbm>> -> memref<96xi32, #tpu.memory_space<hbm>>
      tpu.enqueue_dma source(%dma_start3A_276 : memref<96xi32, #tpu.memory_space<hbm>>) target(%arg7 : memref<96xi32, #tpu.memory_space<vmem>>) target_semaphore(%arg19 : memref<!tpu.dma_semaphore, #tpu.memory_space<semaphore_mem>>)
      %mul3A_277 = arith.constant 32 : i32
      %mul3A_278 = arith.muli %add3A_264, %mul3A_277 : i32
      %add3A_279 = arith.addi %add3A, %mul3A_278 : i32
      %mul3A_280 = arith.constant 96 : i32
      %mul3A_281 = arith.muli %add3A_279, %mul3A_280 : i32
      %dma_wait3A_282 = tpu.memref_slice %arg4[%mul3A_281] : memref<322560xi32, #tpu.memory_space<hbm>> -> memref<96xi32, #tpu.memory_space<hbm>>
      %dma_wait3A_283 = tpu.memref_slice %arg4[%mul3A_281] : memref<322560xi32, #tpu.memory_space<hbm>> -> memref<96xi32, #tpu.memory_space<hbm>>
      tpu.wait_dma2 semaphore(%arg23 : memref<!tpu.dma_semaphore, #tpu.memory_space<semaphore_mem>>) src(%dma_wait3A_283 : memref<96xi32, #tpu.memory_space<hbm>>) dst(%arg11 : memref<96xi32, #tpu.memory_space<vmem>>)
      "tpu.region"() ({
        %run_scoped3A = tpu.sem_alloc : memref<!tpu.dma_semaphore, #tpu.memory_space<semaphore_mem>>
        %dma_start3A_431 = arith.constant 0 : i32
        %dma_start3A_432 = arith.constant 0 : i32
        %dma_start3A_433 = tpu.memref_slice %arg6[%dma_start3A_431, %dma_start3A_432] : memref<10112x128xf32, #tpu.memory_space<vmem_shared>> -> memref<10112x128xf32, #tpu.memory_space<vmem_shared>>
        tpu.enqueue_indirect_dma source(%arg15 : memref<96x128xf32, #tpu.memory_space<vmem>>) target(%dma_start3A_433 : memref<10112x128xf32, #tpu.memory_space<vmem_shared>>) offsets(%arg11 : memref<96xi32, #tpu.memory_space<vmem>>) semaphore(%run_scoped3A : memref<!tpu.dma_semaphore, #tpu.memory_space<semaphore_mem>>) {add = true}
        %dma_wait3A_434 = arith.constant 0 : i32
        %dma_wait3A_435 = arith.constant 0 : i32
        %dma_wait3A_436 = tpu.memref_slice %arg6[%dma_wait3A_434, %dma_wait3A_435] : memref<10112x128xf32, #tpu.memory_space<vmem_shared>> -> memref<10112x128xf32, #tpu.memory_space<vmem_shared>>
        tpu.wait_indirect_dma semaphore(%run_scoped3A : memref<!tpu.dma_semaphore, #tpu.memory_space<semaphore_mem>>) src(%arg15 : memref<96x128xf32, #tpu.memory_space<vmem>>) dst(%dma_wait3A_436 : memref<10112x128xf32, #tpu.memory_space<vmem_shared>>)
        tpu.yield
      }) : () -> ()
      %add3A_284 = arith.constant 4 : i32
      %add3A_285 = arith.addi %add3A_264, %add3A_284 : i32
      %mul3A_286 = arith.constant 32 : i32
      %mul3A_287 = arith.muli %add3A_285, %mul3A_286 : i32
      %add3A_288 = arith.addi %add3A, %mul3A_287 : i32
      %mul3A_289 = arith.constant 96 : i32
      %mul3A_290 = arith.muli %add3A_288, %mul3A_289 : i32
      %dma_start3A_291 = tpu.memref_slice %arg4[%mul3A_290] : memref<322560xi32, #tpu.memory_space<hbm>> -> memref<96xi32, #tpu.memory_space<hbm>>
      %dma_start3A_292 = tpu.memref_slice %arg4[%mul3A_290] : memref<322560xi32, #tpu.memory_space<hbm>> -> memref<96xi32, #tpu.memory_space<hbm>>
      tpu.enqueue_dma source(%dma_start3A_292 : memref<96xi32, #tpu.memory_space<hbm>>) target(%arg11 : memref<96xi32, #tpu.memory_space<vmem>>) target_semaphore(%arg23 : memref<!tpu.dma_semaphore, #tpu.memory_space<semaphore_mem>>)
      %add3A_293 = arith.constant 4 : i32
      %add3A_294 = arith.addi %add3A_264, %add3A_293 : i32
      %mul3A_295 = arith.constant 32 : i32
      %mul3A_296 = arith.muli %add3A_294, %mul3A_295 : i32
      %add3A_297 = arith.addi %add3A, %mul3A_296 : i32
      %mul3A_298 = arith.constant 96 : i32
      %mul3A_299 = arith.muli %add3A_297, %mul3A_298 : i32
      %dma_wait3A_300 = tpu.memref_slice %arg3[%mul3A_299] : memref<322560xi32, #tpu.memory_space<hbm>> -> memref<96xi32, #tpu.memory_space<hbm>>
      %dma_wait3A_301 = tpu.memref_slice %arg3[%mul3A_299] : memref<322560xi32, #tpu.memory_space<hbm>> -> memref<96xi32, #tpu.memory_space<hbm>>
      tpu.wait_dma2 semaphore(%arg19 : memref<!tpu.dma_semaphore, #tpu.memory_space<semaphore_mem>>) src(%dma_wait3A_301 : memref<96xi32, #tpu.memory_space<hbm>>) dst(%arg7 : memref<96xi32, #tpu.memory_space<vmem>>)
      %dma_start3A_302 = arith.constant 0 : i32
      %dma_start3A_303 = arith.constant 0 : i32
      %dma_start3A_304 = tpu.memref_slice %arg2[%dma_start3A_302, %dma_start3A_303] : memref<10112x128xf32, #tpu.memory_space<hbm>> -> memref<10112x128xf32, #tpu.memory_space<hbm>>
      tpu.enqueue_indirect_dma source(%dma_start3A_304 : memref<10112x128xf32, #tpu.memory_space<hbm>>) target(%arg15 : memref<96x128xf32, #tpu.memory_space<vmem>>) offsets(%arg7 : memref<96xi32, #tpu.memory_space<vmem>>) semaphore(%arg27 : memref<!tpu.dma_semaphore, #tpu.memory_space<semaphore_mem>>)
      %add3A_305 = arith.constant 1 : i32
      %add3A_306 = arith.addi %add3A_262, %add3A_305 : i32
      %dma_wait3A_307 = arith.constant 0 : i32
      %dma_wait3A_308 = arith.constant 0 : i32
      %dma_wait3A_309 = tpu.memref_slice %arg2[%dma_wait3A_307, %dma_wait3A_308] : memref<10112x128xf32, #tpu.memory_space<hbm>> -> memref<10112x128xf32, #tpu.memory_space<hbm>>
      tpu.wait_indirect_dma semaphore(%arg28 : memref<!tpu.dma_semaphore, #tpu.memory_space<semaphore_mem>>) src(%dma_wait3A_309 : memref<10112x128xf32, #tpu.memory_space<hbm>>) dst(%arg16 : memref<96x128xf32, #tpu.memory_space<vmem>>)
      %add3A_310 = arith.constant 4 : i32
      %add3A_311 = arith.addi %add3A_306, %add3A_310 : i32
      %mul3A_312 = arith.constant 32 : i32
      %mul3A_313 = arith.muli %add3A_311, %mul3A_312 : i32
      %add3A_314 = arith.addi %add3A, %mul3A_313 : i32
      %mul3A_315 = arith.constant 96 : i32
      %mul3A_316 = arith.muli %add3A_314, %mul3A_315 : i32
      %dma_start3A_317 = tpu.memref_slice %arg3[%mul3A_316] : memref<322560xi32, #tpu.memory_space<hbm>> -> memref<96xi32, #tpu.memory_space<hbm>>
      %dma_start3A_318 = tpu.memref_slice %arg3[%mul3A_316] : memref<322560xi32, #tpu.memory_space<hbm>> -> memref<96xi32, #tpu.memory_space<hbm>>
      tpu.enqueue_dma source(%dma_start3A_318 : memref<96xi32, #tpu.memory_space<hbm>>) target(%arg8 : memref<96xi32, #tpu.memory_space<vmem>>) target_semaphore(%arg20 : memref<!tpu.dma_semaphore, #tpu.memory_space<semaphore_mem>>)
      %mul3A_319 = arith.constant 32 : i32
      %mul3A_320 = arith.muli %add3A_306, %mul3A_319 : i32
      %add3A_321 = arith.addi %add3A, %mul3A_320 : i32
      %mul3A_322 = arith.constant 96 : i32
      %mul3A_323 = arith.muli %add3A_321, %mul3A_322 : i32
      %dma_wait3A_324 = tpu.memref_slice %arg4[%mul3A_323] : memref<322560xi32, #tpu.memory_space<hbm>> -> memref<96xi32, #tpu.memory_space<hbm>>
      %dma_wait3A_325 = tpu.memref_slice %arg4[%mul3A_323] : memref<322560xi32, #tpu.memory_space<hbm>> -> memref<96xi32, #tpu.memory_space<hbm>>
      tpu.wait_dma2 semaphore(%arg24 : memref<!tpu.dma_semaphore, #tpu.memory_space<semaphore_mem>>) src(%dma_wait3A_325 : memref<96xi32, #tpu.memory_space<hbm>>) dst(%arg12 : memref<96xi32, #tpu.memory_space<vmem>>)
      "tpu.region"() ({
        %run_scoped3A = tpu.sem_alloc : memref<!tpu.dma_semaphore, #tpu.memory_space<semaphore_mem>>
        %dma_start3A_431 = arith.constant 0 : i32
        %dma_start3A_432 = arith.constant 0 : i32
        %dma_start3A_433 = tpu.memref_slice %arg6[%dma_start3A_431, %dma_start3A_432] : memref<10112x128xf32, #tpu.memory_space<vmem_shared>> -> memref<10112x128xf32, #tpu.memory_space<vmem_shared>>
        tpu.enqueue_indirect_dma source(%arg16 : memref<96x128xf32, #tpu.memory_space<vmem>>) target(%dma_start3A_433 : memref<10112x128xf32, #tpu.memory_space<vmem_shared>>) offsets(%arg12 : memref<96xi32, #tpu.memory_space<vmem>>) semaphore(%run_scoped3A : memref<!tpu.dma_semaphore, #tpu.memory_space<semaphore_mem>>) {add = true}
        %dma_wait3A_434 = arith.constant 0 : i32
        %dma_wait3A_435 = arith.constant 0 : i32
        %dma_wait3A_436 = tpu.memref_slice %arg6[%dma_wait3A_434, %dma_wait3A_435] : memref<10112x128xf32, #tpu.memory_space<vmem_shared>> -> memref<10112x128xf32, #tpu.memory_space<vmem_shared>>
        tpu.wait_indirect_dma semaphore(%run_scoped3A : memref<!tpu.dma_semaphore, #tpu.memory_space<semaphore_mem>>) src(%arg16 : memref<96x128xf32, #tpu.memory_space<vmem>>) dst(%dma_wait3A_436 : memref<10112x128xf32, #tpu.memory_space<vmem_shared>>)
        tpu.yield
      }) : () -> ()
      %add3A_326 = arith.constant 4 : i32
      %add3A_327 = arith.addi %add3A_306, %add3A_326 : i32
      %mul3A_328 = arith.constant 32 : i32
      %mul3A_329 = arith.muli %add3A_327, %mul3A_328 : i32
      %add3A_330 = arith.addi %add3A, %mul3A_329 : i32
      %mul3A_331 = arith.constant 96 : i32
      %mul3A_332 = arith.muli %add3A_330, %mul3A_331 : i32
      %dma_start3A_333 = tpu.memref_slice %arg4[%mul3A_332] : memref<322560xi32, #tpu.memory_space<hbm>> -> memref<96xi32, #tpu.memory_space<hbm>>
      %dma_start3A_334 = tpu.memref_slice %arg4[%mul3A_332] : memref<322560xi32, #tpu.memory_space<hbm>> -> memref<96xi32, #tpu.memory_space<hbm>>
      tpu.enqueue_dma source(%dma_start3A_334 : memref<96xi32, #tpu.memory_space<hbm>>) target(%arg12 : memref<96xi32, #tpu.memory_space<vmem>>) target_semaphore(%arg24 : memref<!tpu.dma_semaphore, #tpu.memory_space<semaphore_mem>>)
      %add3A_335 = arith.constant 4 : i32
      %add3A_336 = arith.addi %add3A_306, %add3A_335 : i32
      %mul3A_337 = arith.constant 32 : i32
      %mul3A_338 = arith.muli %add3A_336, %mul3A_337 : i32
      %add3A_339 = arith.addi %add3A, %mul3A_338 : i32
      %mul3A_340 = arith.constant 96 : i32
      %mul3A_341 = arith.muli %add3A_339, %mul3A_340 : i32
      %dma_wait3A_342 = tpu.memref_slice %arg3[%mul3A_341] : memref<322560xi32, #tpu.memory_space<hbm>> -> memref<96xi32, #tpu.memory_space<hbm>>
      %dma_wait3A_343 = tpu.memref_slice %arg3[%mul3A_341] : memref<322560xi32, #tpu.memory_space<hbm>> -> memref<96xi32, #tpu.memory_space<hbm>>
      tpu.wait_dma2 semaphore(%arg20 : memref<!tpu.dma_semaphore, #tpu.memory_space<semaphore_mem>>) src(%dma_wait3A_343 : memref<96xi32, #tpu.memory_space<hbm>>) dst(%arg8 : memref<96xi32, #tpu.memory_space<vmem>>)
      %dma_start3A_344 = arith.constant 0 : i32
      %dma_start3A_345 = arith.constant 0 : i32
      %dma_start3A_346 = tpu.memref_slice %arg2[%dma_start3A_344, %dma_start3A_345] : memref<10112x128xf32, #tpu.memory_space<hbm>> -> memref<10112x128xf32, #tpu.memory_space<hbm>>
      tpu.enqueue_indirect_dma source(%dma_start3A_346 : memref<10112x128xf32, #tpu.memory_space<hbm>>) target(%arg16 : memref<96x128xf32, #tpu.memory_space<vmem>>) offsets(%arg8 : memref<96xi32, #tpu.memory_space<vmem>>) semaphore(%arg28 : memref<!tpu.dma_semaphore, #tpu.memory_space<semaphore_mem>>)
      %add3A_347 = arith.constant 2 : i32
      %add3A_348 = arith.addi %add3A_262, %add3A_347 : i32
      %dma_wait3A_349 = arith.constant 0 : i32
      %dma_wait3A_350 = arith.constant 0 : i32
      %dma_wait3A_351 = tpu.memref_slice %arg2[%dma_wait3A_349, %dma_wait3A_350] : memref<10112x128xf32, #tpu.memory_space<hbm>> -> memref<10112x128xf32, #tpu.memory_space<hbm>>
      tpu.wait_indirect_dma semaphore(%arg29 : memref<!tpu.dma_semaphore, #tpu.memory_space<semaphore_mem>>) src(%dma_wait3A_351 : memref<10112x128xf32, #tpu.memory_space<hbm>>) dst(%arg17 : memref<96x128xf32, #tpu.memory_space<vmem>>)
      %add3A_352 = arith.constant 4 : i32
      %add3A_353 = arith.addi %add3A_348, %add3A_352 : i32
      %mul3A_354 = arith.constant 32 : i32
      %mul3A_355 = arith.muli %add3A_353, %mul3A_354 : i32
      %add3A_356 = arith.addi %add3A, %mul3A_355 : i32
      %mul3A_357 = arith.constant 96 : i32
      %mul3A_358 = arith.muli %add3A_356, %mul3A_357 : i32
      %dma_start3A_359 = tpu.memref_slice %arg3[%mul3A_358] : memref<322560xi32, #tpu.memory_space<hbm>> -> memref<96xi32, #tpu.memory_space<hbm>>
      %dma_start3A_360 = tpu.memref_slice %arg3[%mul3A_358] : memref<322560xi32, #tpu.memory_space<hbm>> -> memref<96xi32, #tpu.memory_space<hbm>>
      tpu.enqueue_dma source(%dma_start3A_360 : memref<96xi32, #tpu.memory_space<hbm>>) target(%arg9 : memref<96xi32, #tpu.memory_space<vmem>>) target_semaphore(%arg21 : memref<!tpu.dma_semaphore, #tpu.memory_space<semaphore_mem>>)
      %mul3A_361 = arith.constant 32 : i32
      %mul3A_362 = arith.muli %add3A_348, %mul3A_361 : i32
      %add3A_363 = arith.addi %add3A, %mul3A_362 : i32
      %mul3A_364 = arith.constant 96 : i32
      %mul3A_365 = arith.muli %add3A_363, %mul3A_364 : i32
      %dma_wait3A_366 = tpu.memref_slice %arg4[%mul3A_365] : memref<322560xi32, #tpu.memory_space<hbm>> -> memref<96xi32, #tpu.memory_space<hbm>>
      %dma_wait3A_367 = tpu.memref_slice %arg4[%mul3A_365] : memref<322560xi32, #tpu.memory_space<hbm>> -> memref<96xi32, #tpu.memory_space<hbm>>
      tpu.wait_dma2 semaphore(%arg25 : memref<!tpu.dma_semaphore, #tpu.memory_space<semaphore_mem>>) src(%dma_wait3A_367 : memref<96xi32, #tpu.memory_space<hbm>>) dst(%arg13 : memref<96xi32, #tpu.memory_space<vmem>>)
      "tpu.region"() ({
        %run_scoped3A = tpu.sem_alloc : memref<!tpu.dma_semaphore, #tpu.memory_space<semaphore_mem>>
        %dma_start3A_431 = arith.constant 0 : i32
        %dma_start3A_432 = arith.constant 0 : i32
        %dma_start3A_433 = tpu.memref_slice %arg6[%dma_start3A_431, %dma_start3A_432] : memref<10112x128xf32, #tpu.memory_space<vmem_shared>> -> memref<10112x128xf32, #tpu.memory_space<vmem_shared>>
        tpu.enqueue_indirect_dma source(%arg17 : memref<96x128xf32, #tpu.memory_space<vmem>>) target(%dma_start3A_433 : memref<10112x128xf32, #tpu.memory_space<vmem_shared>>) offsets(%arg13 : memref<96xi32, #tpu.memory_space<vmem>>) semaphore(%run_scoped3A : memref<!tpu.dma_semaphore, #tpu.memory_space<semaphore_mem>>) {add = true}
        %dma_wait3A_434 = arith.constant 0 : i32
        %dma_wait3A_435 = arith.constant 0 : i32
        %dma_wait3A_436 = tpu.memref_slice %arg6[%dma_wait3A_434, %dma_wait3A_435] : memref<10112x128xf32, #tpu.memory_space<vmem_shared>> -> memref<10112x128xf32, #tpu.memory_space<vmem_shared>>
        tpu.wait_indirect_dma semaphore(%run_scoped3A : memref<!tpu.dma_semaphore, #tpu.memory_space<semaphore_mem>>) src(%arg17 : memref<96x128xf32, #tpu.memory_space<vmem>>) dst(%dma_wait3A_436 : memref<10112x128xf32, #tpu.memory_space<vmem_shared>>)
        tpu.yield
      }) : () -> ()
      %add3A_368 = arith.constant 4 : i32
      %add3A_369 = arith.addi %add3A_348, %add3A_368 : i32
      %mul3A_370 = arith.constant 32 : i32
      %mul3A_371 = arith.muli %add3A_369, %mul3A_370 : i32
      %add3A_372 = arith.addi %add3A, %mul3A_371 : i32
      %mul3A_373 = arith.constant 96 : i32
      %mul3A_374 = arith.muli %add3A_372, %mul3A_373 : i32
      %dma_start3A_375 = tpu.memref_slice %arg4[%mul3A_374] : memref<322560xi32, #tpu.memory_space<hbm>> -> memref<96xi32, #tpu.memory_space<hbm>>
      %dma_start3A_376 = tpu.memref_slice %arg4[%mul3A_374] : memref<322560xi32, #tpu.memory_space<hbm>> -> memref<96xi32, #tpu.memory_space<hbm>>
      tpu.enqueue_dma source(%dma_start3A_376 : memref<96xi32, #tpu.memory_space<hbm>>) target(%arg13 : memref<96xi32, #tpu.memory_space<vmem>>) target_semaphore(%arg25 : memref<!tpu.dma_semaphore, #tpu.memory_space<semaphore_mem>>)
      %add3A_377 = arith.constant 4 : i32
      %add3A_378 = arith.addi %add3A_348, %add3A_377 : i32
      %mul3A_379 = arith.constant 32 : i32
      %mul3A_380 = arith.muli %add3A_378, %mul3A_379 : i32
      %add3A_381 = arith.addi %add3A, %mul3A_380 : i32
      %mul3A_382 = arith.constant 96 : i32
      %mul3A_383 = arith.muli %add3A_381, %mul3A_382 : i32
      %dma_wait3A_384 = tpu.memref_slice %arg3[%mul3A_383] : memref<322560xi32, #tpu.memory_space<hbm>> -> memref<96xi32, #tpu.memory_space<hbm>>
      %dma_wait3A_385 = tpu.memref_slice %arg3[%mul3A_383] : memref<322560xi32, #tpu.memory_space<hbm>> -> memref<96xi32, #tpu.memory_space<hbm>>
      tpu.wait_dma2 semaphore(%arg21 : memref<!tpu.dma_semaphore, #tpu.memory_space<semaphore_mem>>) src(%dma_wait3A_385 : memref<96xi32, #tpu.memory_space<hbm>>) dst(%arg9 : memref<96xi32, #tpu.memory_space<vmem>>)
      %dma_start3A_386 = arith.constant 0 : i32
      %dma_start3A_387 = arith.constant 0 : i32
      %dma_start3A_388 = tpu.memref_slice %arg2[%dma_start3A_386, %dma_start3A_387] : memref<10112x128xf32, #tpu.memory_space<hbm>> -> memref<10112x128xf32, #tpu.memory_space<hbm>>
      tpu.enqueue_indirect_dma source(%dma_start3A_388 : memref<10112x128xf32, #tpu.memory_space<hbm>>) target(%arg17 : memref<96x128xf32, #tpu.memory_space<vmem>>) offsets(%arg9 : memref<96xi32, #tpu.memory_space<vmem>>) semaphore(%arg29 : memref<!tpu.dma_semaphore, #tpu.memory_space<semaphore_mem>>)
      %add3A_389 = arith.constant 3 : i32
      %add3A_390 = arith.addi %add3A_262, %add3A_389 : i32
      %dma_wait3A_391 = arith.constant 0 : i32
      %dma_wait3A_392 = arith.constant 0 : i32
      %dma_wait3A_393 = tpu.memref_slice %arg2[%dma_wait3A_391, %dma_wait3A_392] : memref<10112x128xf32, #tpu.memory_space<hbm>> -> memref<10112x128xf32, #tpu.memory_space<hbm>>
      tpu.wait_indirect_dma semaphore(%arg30 : memref<!tpu.dma_semaphore, #tpu.memory_space<semaphore_mem>>) src(%dma_wait3A_393 : memref<10112x128xf32, #tpu.memory_space<hbm>>) dst(%arg18 : memref<96x128xf32, #tpu.memory_space<vmem>>)
      %add3A_394 = arith.constant 4 : i32
      %add3A_395 = arith.addi %add3A_390, %add3A_394 : i32
      %mul3A_396 = arith.constant 32 : i32
      %mul3A_397 = arith.muli %add3A_395, %mul3A_396 : i32
      %add3A_398 = arith.addi %add3A, %mul3A_397 : i32
      %mul3A_399 = arith.constant 96 : i32
      %mul3A_400 = arith.muli %add3A_398, %mul3A_399 : i32
      %dma_start3A_401 = tpu.memref_slice %arg3[%mul3A_400] : memref<322560xi32, #tpu.memory_space<hbm>> -> memref<96xi32, #tpu.memory_space<hbm>>
      %dma_start3A_402 = tpu.memref_slice %arg3[%mul3A_400] : memref<322560xi32, #tpu.memory_space<hbm>> -> memref<96xi32, #tpu.memory_space<hbm>>
      tpu.enqueue_dma source(%dma_start3A_402 : memref<96xi32, #tpu.memory_space<hbm>>) target(%arg10 : memref<96xi32, #tpu.memory_space<vmem>>) target_semaphore(%arg22 : memref<!tpu.dma_semaphore, #tpu.memory_space<semaphore_mem>>)
      %mul3A_403 = arith.constant 32 : i32
      %mul3A_404 = arith.muli %add3A_390, %mul3A_403 : i32
      %add3A_405 = arith.addi %add3A, %mul3A_404 : i32
      %mul3A_406 = arith.constant 96 : i32
      %mul3A_407 = arith.muli %add3A_405, %mul3A_406 : i32
      %dma_wait3A_408 = tpu.memref_slice %arg4[%mul3A_407] : memref<322560xi32, #tpu.memory_space<hbm>> -> memref<96xi32, #tpu.memory_space<hbm>>
      %dma_wait3A_409 = tpu.memref_slice %arg4[%mul3A_407] : memref<322560xi32, #tpu.memory_space<hbm>> -> memref<96xi32, #tpu.memory_space<hbm>>
      tpu.wait_dma2 semaphore(%arg26 : memref<!tpu.dma_semaphore, #tpu.memory_space<semaphore_mem>>) src(%dma_wait3A_409 : memref<96xi32, #tpu.memory_space<hbm>>) dst(%arg14 : memref<96xi32, #tpu.memory_space<vmem>>)
      "tpu.region"() ({
        %run_scoped3A = tpu.sem_alloc : memref<!tpu.dma_semaphore, #tpu.memory_space<semaphore_mem>>
        %dma_start3A_431 = arith.constant 0 : i32
        %dma_start3A_432 = arith.constant 0 : i32
        %dma_start3A_433 = tpu.memref_slice %arg6[%dma_start3A_431, %dma_start3A_432] : memref<10112x128xf32, #tpu.memory_space<vmem_shared>> -> memref<10112x128xf32, #tpu.memory_space<vmem_shared>>
        tpu.enqueue_indirect_dma source(%arg18 : memref<96x128xf32, #tpu.memory_space<vmem>>) target(%dma_start3A_433 : memref<10112x128xf32, #tpu.memory_space<vmem_shared>>) offsets(%arg14 : memref<96xi32, #tpu.memory_space<vmem>>) semaphore(%run_scoped3A : memref<!tpu.dma_semaphore, #tpu.memory_space<semaphore_mem>>) {add = true}
        %dma_wait3A_434 = arith.constant 0 : i32
        %dma_wait3A_435 = arith.constant 0 : i32
        %dma_wait3A_436 = tpu.memref_slice %arg6[%dma_wait3A_434, %dma_wait3A_435] : memref<10112x128xf32, #tpu.memory_space<vmem_shared>> -> memref<10112x128xf32, #tpu.memory_space<vmem_shared>>
        tpu.wait_indirect_dma semaphore(%run_scoped3A : memref<!tpu.dma_semaphore, #tpu.memory_space<semaphore_mem>>) src(%arg18 : memref<96x128xf32, #tpu.memory_space<vmem>>) dst(%dma_wait3A_436 : memref<10112x128xf32, #tpu.memory_space<vmem_shared>>)
        tpu.yield
      }) : () -> ()
      %add3A_410 = arith.constant 4 : i32
      %add3A_411 = arith.addi %add3A_390, %add3A_410 : i32
      %mul3A_412 = arith.constant 32 : i32
      %mul3A_413 = arith.muli %add3A_411, %mul3A_412 : i32
      %add3A_414 = arith.addi %add3A, %mul3A_413 : i32
      %mul3A_415 = arith.constant 96 : i32
      %mul3A_416 = arith.muli %add3A_414, %mul3A_415 : i32
      %dma_start3A_417 = tpu.memref_slice %arg4[%mul3A_416] : memref<322560xi32, #tpu.memory_space<hbm>> -> memref<96xi32, #tpu.memory_space<hbm>>
      %dma_start3A_418 = tpu.memref_slice %arg4[%mul3A_416] : memref<322560xi32, #tpu.memory_space<hbm>> -> memref<96xi32, #tpu.memory_space<hbm>>
      tpu.enqueue_dma source(%dma_start3A_418 : memref<96xi32, #tpu.memory_space<hbm>>) target(%arg14 : memref<96xi32, #tpu.memory_space<vmem>>) target_semaphore(%arg26 : memref<!tpu.dma_semaphore, #tpu.memory_space<semaphore_mem>>)
      %add3A_419 = arith.constant 4 : i32
      %add3A_420 = arith.addi %add3A_390, %add3A_419 : i32
      %mul3A_421 = arith.constant 32 : i32
      %mul3A_422 = arith.muli %add3A_420, %mul3A_421 : i32
      %add3A_423 = arith.addi %add3A, %mul3A_422 : i32
      %mul3A_424 = arith.constant 96 : i32
      %mul3A_425 = arith.muli %add3A_423, %mul3A_424 : i32
      %dma_wait3A_426 = tpu.memref_slice %arg3[%mul3A_425] : memref<322560xi32, #tpu.memory_space<hbm>> -> memref<96xi32, #tpu.memory_space<hbm>>
      %dma_wait3A_427 = tpu.memref_slice %arg3[%mul3A_425] : memref<322560xi32, #tpu.memory_space<hbm>> -> memref<96xi32, #tpu.memory_space<hbm>>
      tpu.wait_dma2 semaphore(%arg22 : memref<!tpu.dma_semaphore, #tpu.memory_space<semaphore_mem>>) src(%dma_wait3A_427 : memref<96xi32, #tpu.memory_space<hbm>>) dst(%arg10 : memref<96xi32, #tpu.memory_space<vmem>>)
      %dma_start3A_428 = arith.constant 0 : i32
      %dma_start3A_429 = arith.constant 0 : i32
      %dma_start3A_430 = tpu.memref_slice %arg2[%dma_start3A_428, %dma_start3A_429] : memref<10112x128xf32, #tpu.memory_space<hbm>> -> memref<10112x128xf32, #tpu.memory_space<hbm>>
      tpu.enqueue_indirect_dma source(%dma_start3A_430 : memref<10112x128xf32, #tpu.memory_space<hbm>>) target(%arg18 : memref<96x128xf32, #tpu.memory_space<vmem>>) offsets(%arg10 : memref<96xi32, #tpu.memory_space<vmem>>) semaphore(%arg30 : memref<!tpu.dma_semaphore, #tpu.memory_space<semaphore_mem>>)
    }
    %scan3A_190 = arith.constant 25 : i32
    %dma_wait3A_191 = arith.constant 0 : i32
    %dma_wait3A_192 = arith.constant 0 : i32
    %dma_wait3A_193 = tpu.memref_slice %arg2[%dma_wait3A_191, %dma_wait3A_192] : memref<10112x128xf32, #tpu.memory_space<hbm>> -> memref<10112x128xf32, #tpu.memory_space<hbm>>
    tpu.wait_indirect_dma semaphore(%arg27 : memref<!tpu.dma_semaphore, #tpu.memory_space<semaphore_mem>>) src(%dma_wait3A_193 : memref<10112x128xf32, #tpu.memory_space<hbm>>) dst(%arg15 : memref<96x128xf32, #tpu.memory_space<vmem>>)
    %add3A_194 = arith.constant 3328 : i32
    %add3A_195 = arith.addi %add3A, %add3A_194 : i32
    %mul3A_196 = arith.constant 96 : i32
    %mul3A_197 = arith.muli %add3A_195, %mul3A_196 : i32
    %dma_start3A_198 = tpu.memref_slice %arg3[%mul3A_197] : memref<322560xi32, #tpu.memory_space<hbm>> -> memref<96xi32, #tpu.memory_space<hbm>>
    %dma_start3A_199 = tpu.memref_slice %arg3[%mul3A_197] : memref<322560xi32, #tpu.memory_space<hbm>> -> memref<96xi32, #tpu.memory_space<hbm>>
    tpu.enqueue_dma source(%dma_start3A_199 : memref<96xi32, #tpu.memory_space<hbm>>) target(%arg7 : memref<96xi32, #tpu.memory_space<vmem>>) target_semaphore(%arg19 : memref<!tpu.dma_semaphore, #tpu.memory_space<semaphore_mem>>)
    %add3A_200 = arith.constant 3200 : i32
    %add3A_201 = arith.addi %add3A, %add3A_200 : i32
    %mul3A_202 = arith.constant 96 : i32
    %mul3A_203 = arith.muli %add3A_201, %mul3A_202 : i32
    %dma_wait3A_204 = tpu.memref_slice %arg4[%mul3A_203] : memref<322560xi32, #tpu.memory_space<hbm>> -> memref<96xi32, #tpu.memory_space<hbm>>
    %dma_wait3A_205 = tpu.memref_slice %arg4[%mul3A_203] : memref<322560xi32, #tpu.memory_space<hbm>> -> memref<96xi32, #tpu.memory_space<hbm>>
    tpu.wait_dma2 semaphore(%arg23 : memref<!tpu.dma_semaphore, #tpu.memory_space<semaphore_mem>>) src(%dma_wait3A_205 : memref<96xi32, #tpu.memory_space<hbm>>) dst(%arg11 : memref<96xi32, #tpu.memory_space<vmem>>)
    "tpu.region"() ({
      %run_scoped3A = tpu.sem_alloc : memref<!tpu.dma_semaphore, #tpu.memory_space<semaphore_mem>>
      %dma_start3A_258 = arith.constant 0 : i32
      %dma_start3A_259 = arith.constant 0 : i32
      %dma_start3A_260 = tpu.memref_slice %arg6[%dma_start3A_258, %dma_start3A_259] : memref<10112x128xf32, #tpu.memory_space<vmem_shared>> -> memref<10112x128xf32, #tpu.memory_space<vmem_shared>>
      tpu.enqueue_indirect_dma source(%arg15 : memref<96x128xf32, #tpu.memory_space<vmem>>) target(%dma_start3A_260 : memref<10112x128xf32, #tpu.memory_space<vmem_shared>>) offsets(%arg11 : memref<96xi32, #tpu.memory_space<vmem>>) semaphore(%run_scoped3A : memref<!tpu.dma_semaphore, #tpu.memory_space<semaphore_mem>>) {add = true}
      %dma_wait3A_261 = arith.constant 0 : i32
      %dma_wait3A_262 = arith.constant 0 : i32
      %dma_wait3A_263 = tpu.memref_slice %arg6[%dma_wait3A_261, %dma_wait3A_262] : memref<10112x128xf32, #tpu.memory_space<vmem_shared>> -> memref<10112x128xf32, #tpu.memory_space<vmem_shared>>
      tpu.wait_indirect_dma semaphore(%run_scoped3A : memref<!tpu.dma_semaphore, #tpu.memory_space<semaphore_mem>>) src(%arg15 : memref<96x128xf32, #tpu.memory_space<vmem>>) dst(%dma_wait3A_263 : memref<10112x128xf32, #tpu.memory_space<vmem_shared>>)
      tpu.yield
    }) : () -> ()
    %add3A_206 = arith.constant 3328 : i32
    %add3A_207 = arith.addi %add3A, %add3A_206 : i32
    %mul3A_208 = arith.constant 96 : i32
    %mul3A_209 = arith.muli %add3A_207, %mul3A_208 : i32
    %dma_start3A_210 = tpu.memref_slice %arg4[%mul3A_209] : memref<322560xi32, #tpu.memory_space<hbm>> -> memref<96xi32, #tpu.memory_space<hbm>>
    %dma_start3A_211 = tpu.memref_slice %arg4[%mul3A_209] : memref<322560xi32, #tpu.memory_space<hbm>> -> memref<96xi32, #tpu.memory_space<hbm>>
    tpu.enqueue_dma source(%dma_start3A_211 : memref<96xi32, #tpu.memory_space<hbm>>) target(%arg11 : memref<96xi32, #tpu.memory_space<vmem>>) target_semaphore(%arg23 : memref<!tpu.dma_semaphore, #tpu.memory_space<semaphore_mem>>)
    %add3A_212 = arith.constant 3328 : i32
    %add3A_213 = arith.addi %add3A, %add3A_212 : i32
    %mul3A_214 = arith.constant 96 : i32
    %mul3A_215 = arith.muli %add3A_213, %mul3A_214 : i32
    %dma_wait3A_216 = tpu.memref_slice %arg3[%mul3A_215] : memref<322560xi32, #tpu.memory_space<hbm>> -> memref<96xi32, #tpu.memory_space<hbm>>
    %dma_wait3A_217 = tpu.memref_slice %arg3[%mul3A_215] : memref<322560xi32, #tpu.memory_space<hbm>> -> memref<96xi32, #tpu.memory_space<hbm>>
    tpu.wait_dma2 semaphore(%arg19 : memref<!tpu.dma_semaphore, #tpu.memory_space<semaphore_mem>>) src(%dma_wait3A_217 : memref<96xi32, #tpu.memory_space<hbm>>) dst(%arg7 : memref<96xi32, #tpu.memory_space<vmem>>)
    %dma_start3A_218 = arith.constant 0 : i32
    %dma_start3A_219 = arith.constant 0 : i32
    %dma_start3A_220 = tpu.memref_slice %arg2[%dma_start3A_218, %dma_start3A_219] : memref<10112x128xf32, #tpu.memory_space<hbm>> -> memref<10112x128xf32, #tpu.memory_space<hbm>>
    tpu.enqueue_indirect_dma source(%dma_start3A_220 : memref<10112x128xf32, #tpu.memory_space<hbm>>) target(%arg15 : memref<96x128xf32, #tpu.memory_space<vmem>>) offsets(%arg7 : memref<96xi32, #tpu.memory_space<vmem>>) semaphore(%arg27 : memref<!tpu.dma_semaphore, #tpu.memory_space<semaphore_mem>>)
    %dma_wait3A_221 = arith.constant 0 : i32
    %dma_wait3A_222 = arith.constant 0 : i32
    %dma_wait3A_223 = tpu.memref_slice %arg2[%dma_wait3A_221, %dma_wait3A_222] : memref<10112x128xf32, #tpu.memory_space<hbm>> -> memref<10112x128xf32, #tpu.memory_space<hbm>>
    tpu.wait_indirect_dma semaphore(%arg28 : memref<!tpu.dma_semaphore, #tpu.memory_space<semaphore_mem>>) src(%dma_wait3A_223 : memref<10112x128xf32, #tpu.memory_space<hbm>>) dst(%arg16 : memref<96x128xf32, #tpu.memory_space<vmem>>)
    %add3A_224 = arith.constant 3232 : i32
    %add3A_225 = arith.addi %add3A, %add3A_224 : i32
    %mul3A_226 = arith.constant 96 : i32
    %mul3A_227 = arith.muli %add3A_225, %mul3A_226 : i32
    %dma_wait3A_228 = tpu.memref_slice %arg4[%mul3A_227] : memref<322560xi32, #tpu.memory_space<hbm>> -> memref<96xi32, #tpu.memory_space<hbm>>
    %dma_wait3A_229 = tpu.memref_slice %arg4[%mul3A_227] : memref<322560xi32, #tpu.memory_space<hbm>> -> memref<96xi32, #tpu.memory_space<hbm>>
    tpu.wait_dma2 semaphore(%arg24 : memref<!tpu.dma_semaphore, #tpu.memory_space<semaphore_mem>>) src(%dma_wait3A_229 : memref<96xi32, #tpu.memory_space<hbm>>) dst(%arg12 : memref<96xi32, #tpu.memory_space<vmem>>)
    "tpu.region"() ({
      %run_scoped3A = tpu.sem_alloc : memref<!tpu.dma_semaphore, #tpu.memory_space<semaphore_mem>>
      %dma_start3A_258 = arith.constant 0 : i32
      %dma_start3A_259 = arith.constant 0 : i32
      %dma_start3A_260 = tpu.memref_slice %arg6[%dma_start3A_258, %dma_start3A_259] : memref<10112x128xf32, #tpu.memory_space<vmem_shared>> -> memref<10112x128xf32, #tpu.memory_space<vmem_shared>>
      tpu.enqueue_indirect_dma source(%arg16 : memref<96x128xf32, #tpu.memory_space<vmem>>) target(%dma_start3A_260 : memref<10112x128xf32, #tpu.memory_space<vmem_shared>>) offsets(%arg12 : memref<96xi32, #tpu.memory_space<vmem>>) semaphore(%run_scoped3A : memref<!tpu.dma_semaphore, #tpu.memory_space<semaphore_mem>>) {add = true}
      %dma_wait3A_261 = arith.constant 0 : i32
      %dma_wait3A_262 = arith.constant 0 : i32
      %dma_wait3A_263 = tpu.memref_slice %arg6[%dma_wait3A_261, %dma_wait3A_262] : memref<10112x128xf32, #tpu.memory_space<vmem_shared>> -> memref<10112x128xf32, #tpu.memory_space<vmem_shared>>
      tpu.wait_indirect_dma semaphore(%run_scoped3A : memref<!tpu.dma_semaphore, #tpu.memory_space<semaphore_mem>>) src(%arg16 : memref<96x128xf32, #tpu.memory_space<vmem>>) dst(%dma_wait3A_263 : memref<10112x128xf32, #tpu.memory_space<vmem_shared>>)
      tpu.yield
    }) : () -> ()
    %dma_wait3A_230 = arith.constant 0 : i32
    %dma_wait3A_231 = arith.constant 0 : i32
    %dma_wait3A_232 = tpu.memref_slice %arg2[%dma_wait3A_230, %dma_wait3A_231] : memref<10112x128xf32, #tpu.memory_space<hbm>> -> memref<10112x128xf32, #tpu.memory_space<hbm>>
    tpu.wait_indirect_dma semaphore(%arg29 : memref<!tpu.dma_semaphore, #tpu.memory_space<semaphore_mem>>) src(%dma_wait3A_232 : memref<10112x128xf32, #tpu.memory_space<hbm>>) dst(%arg17 : memref<96x128xf32, #tpu.memory_space<vmem>>)
    %add3A_233 = arith.constant 3264 : i32
    %add3A_234 = arith.addi %add3A, %add3A_233 : i32
    %mul3A_235 = arith.constant 96 : i32
    %mul3A_236 = arith.muli %add3A_234, %mul3A_235 : i32
    %dma_wait3A_237 = tpu.memref_slice %arg4[%mul3A_236] : memref<322560xi32, #tpu.memory_space<hbm>> -> memref<96xi32, #tpu.memory_space<hbm>>
    %dma_wait3A_238 = tpu.memref_slice %arg4[%mul3A_236] : memref<322560xi32, #tpu.memory_space<hbm>> -> memref<96xi32, #tpu.memory_space<hbm>>
    tpu.wait_dma2 semaphore(%arg25 : memref<!tpu.dma_semaphore, #tpu.memory_space<semaphore_mem>>) src(%dma_wait3A_238 : memref<96xi32, #tpu.memory_space<hbm>>) dst(%arg13 : memref<96xi32, #tpu.memory_space<vmem>>)
    "tpu.region"() ({
      %run_scoped3A = tpu.sem_alloc : memref<!tpu.dma_semaphore, #tpu.memory_space<semaphore_mem>>
      %dma_start3A_258 = arith.constant 0 : i32
      %dma_start3A_259 = arith.constant 0 : i32
      %dma_start3A_260 = tpu.memref_slice %arg6[%dma_start3A_258, %dma_start3A_259] : memref<10112x128xf32, #tpu.memory_space<vmem_shared>> -> memref<10112x128xf32, #tpu.memory_space<vmem_shared>>
      tpu.enqueue_indirect_dma source(%arg17 : memref<96x128xf32, #tpu.memory_space<vmem>>) target(%dma_start3A_260 : memref<10112x128xf32, #tpu.memory_space<vmem_shared>>) offsets(%arg13 : memref<96xi32, #tpu.memory_space<vmem>>) semaphore(%run_scoped3A : memref<!tpu.dma_semaphore, #tpu.memory_space<semaphore_mem>>) {add = true}
      %dma_wait3A_261 = arith.constant 0 : i32
      %dma_wait3A_262 = arith.constant 0 : i32
      %dma_wait3A_263 = tpu.memref_slice %arg6[%dma_wait3A_261, %dma_wait3A_262] : memref<10112x128xf32, #tpu.memory_space<vmem_shared>> -> memref<10112x128xf32, #tpu.memory_space<vmem_shared>>
      tpu.wait_indirect_dma semaphore(%run_scoped3A : memref<!tpu.dma_semaphore, #tpu.memory_space<semaphore_mem>>) src(%arg17 : memref<96x128xf32, #tpu.memory_space<vmem>>) dst(%dma_wait3A_263 : memref<10112x128xf32, #tpu.memory_space<vmem_shared>>)
      tpu.yield
    }) : () -> ()
    %dma_wait3A_239 = arith.constant 0 : i32
    %dma_wait3A_240 = arith.constant 0 : i32
    %dma_wait3A_241 = tpu.memref_slice %arg2[%dma_wait3A_239, %dma_wait3A_240] : memref<10112x128xf32, #tpu.memory_space<hbm>> -> memref<10112x128xf32, #tpu.memory_space<hbm>>
    tpu.wait_indirect_dma semaphore(%arg30 : memref<!tpu.dma_semaphore, #tpu.memory_space<semaphore_mem>>) src(%dma_wait3A_241 : memref<10112x128xf32, #tpu.memory_space<hbm>>) dst(%arg18 : memref<96x128xf32, #tpu.memory_space<vmem>>)
    %add3A_242 = arith.constant 3296 : i32
    %add3A_243 = arith.addi %add3A, %add3A_242 : i32
    %mul3A_244 = arith.constant 96 : i32
    %mul3A_245 = arith.muli %add3A_243, %mul3A_244 : i32
    %dma_wait3A_246 = tpu.memref_slice %arg4[%mul3A_245] : memref<322560xi32, #tpu.memory_space<hbm>> -> memref<96xi32, #tpu.memory_space<hbm>>
    %dma_wait3A_247 = tpu.memref_slice %arg4[%mul3A_245] : memref<322560xi32, #tpu.memory_space<hbm>> -> memref<96xi32, #tpu.memory_space<hbm>>
    tpu.wait_dma2 semaphore(%arg26 : memref<!tpu.dma_semaphore, #tpu.memory_space<semaphore_mem>>) src(%dma_wait3A_247 : memref<96xi32, #tpu.memory_space<hbm>>) dst(%arg14 : memref<96xi32, #tpu.memory_space<vmem>>)
    "tpu.region"() ({
      %run_scoped3A = tpu.sem_alloc : memref<!tpu.dma_semaphore, #tpu.memory_space<semaphore_mem>>
      %dma_start3A_258 = arith.constant 0 : i32
      %dma_start3A_259 = arith.constant 0 : i32
      %dma_start3A_260 = tpu.memref_slice %arg6[%dma_start3A_258, %dma_start3A_259] : memref<10112x128xf32, #tpu.memory_space<vmem_shared>> -> memref<10112x128xf32, #tpu.memory_space<vmem_shared>>
      tpu.enqueue_indirect_dma source(%arg18 : memref<96x128xf32, #tpu.memory_space<vmem>>) target(%dma_start3A_260 : memref<10112x128xf32, #tpu.memory_space<vmem_shared>>) offsets(%arg14 : memref<96xi32, #tpu.memory_space<vmem>>) semaphore(%run_scoped3A : memref<!tpu.dma_semaphore, #tpu.memory_space<semaphore_mem>>) {add = true}
      %dma_wait3A_261 = arith.constant 0 : i32
      %dma_wait3A_262 = arith.constant 0 : i32
      %dma_wait3A_263 = tpu.memref_slice %arg6[%dma_wait3A_261, %dma_wait3A_262] : memref<10112x128xf32, #tpu.memory_space<vmem_shared>> -> memref<10112x128xf32, #tpu.memory_space<vmem_shared>>
      tpu.wait_indirect_dma semaphore(%run_scoped3A : memref<!tpu.dma_semaphore, #tpu.memory_space<semaphore_mem>>) src(%arg18 : memref<96x128xf32, #tpu.memory_space<vmem>>) dst(%dma_wait3A_263 : memref<10112x128xf32, #tpu.memory_space<vmem_shared>>)
      tpu.yield
    }) : () -> ()
    %dma_wait3A_248 = arith.constant 0 : i32
    %dma_wait3A_249 = arith.constant 0 : i32
    %dma_wait3A_250 = tpu.memref_slice %arg2[%dma_wait3A_248, %dma_wait3A_249] : memref<10112x128xf32, #tpu.memory_space<hbm>> -> memref<10112x128xf32, #tpu.memory_space<hbm>>
    tpu.wait_indirect_dma semaphore(%arg27 : memref<!tpu.dma_semaphore, #tpu.memory_space<semaphore_mem>>) src(%dma_wait3A_250 : memref<10112x128xf32, #tpu.memory_space<hbm>>) dst(%arg15 : memref<96x128xf32, #tpu.memory_space<vmem>>)
    %add3A_251 = arith.constant 3328 : i32
    %add3A_252 = arith.addi %add3A, %add3A_251 : i32
    %mul3A_253 = arith.constant 96 : i32
    %mul3A_254 = arith.muli %add3A_252, %mul3A_253 : i32
    %dma_wait3A_255 = tpu.memref_slice %arg4[%mul3A_254] : memref<322560xi32, #tpu.memory_space<hbm>> -> memref<96xi32, #tpu.memory_space<hbm>>
    %dma_wait3A_256 = tpu.memref_slice %arg4[%mul3A_254] : memref<322560xi32, #tpu.memory_space<hbm>> -> memref<96xi32, #tpu.memory_space<hbm>>
    tpu.wait_dma2 semaphore(%arg23 : memref<!tpu.dma_semaphore, #tpu.memory_space<semaphore_mem>>) src(%dma_wait3A_256 : memref<96xi32, #tpu.memory_space<hbm>>) dst(%arg11 : memref<96xi32, #tpu.memory_space<vmem>>)
    "tpu.region"() ({
      %run_scoped3A = tpu.sem_alloc : memref<!tpu.dma_semaphore, #tpu.memory_space<semaphore_mem>>
      %dma_start3A_258 = arith.constant 0 : i32
      %dma_start3A_259 = arith.constant 0 : i32
      %dma_start3A_260 = tpu.memref_slice %arg6[%dma_start3A_258, %dma_start3A_259] : memref<10112x128xf32, #tpu.memory_space<vmem_shared>> -> memref<10112x128xf32, #tpu.memory_space<vmem_shared>>
      tpu.enqueue_indirect_dma source(%arg15 : memref<96x128xf32, #tpu.memory_space<vmem>>) target(%dma_start3A_260 : memref<10112x128xf32, #tpu.memory_space<vmem_shared>>) offsets(%arg11 : memref<96xi32, #tpu.memory_space<vmem>>) semaphore(%run_scoped3A : memref<!tpu.dma_semaphore, #tpu.memory_space<semaphore_mem>>) {add = true}
      %dma_wait3A_261 = arith.constant 0 : i32
      %dma_wait3A_262 = arith.constant 0 : i32
      %dma_wait3A_263 = tpu.memref_slice %arg6[%dma_wait3A_261, %dma_wait3A_262] : memref<10112x128xf32, #tpu.memory_space<vmem_shared>> -> memref<10112x128xf32, #tpu.memory_space<vmem_shared>>
      tpu.wait_indirect_dma semaphore(%run_scoped3A : memref<!tpu.dma_semaphore, #tpu.memory_space<semaphore_mem>>) src(%arg15 : memref<96x128xf32, #tpu.memory_space<vmem>>) dst(%dma_wait3A_263 : memref<10112x128xf32, #tpu.memory_space<vmem_shared>>)
      tpu.yield
    }) : () -> ()
    %barrier3A_257 = arith.constant 0 : index
    tpu.barrier barrier_id(%barrier3A_257)
    "tpu.region"() ({
      %run_scoped3A = tpu.sem_alloc : memref<!tpu.dma_semaphore, #tpu.memory_space<semaphore_mem>>
      %dma_start3A_258 = arith.constant 0 : i32
      %dma_start3A_259 = tpu.memref_slice %arg5[%arg0, %mul3A_2, %dma_start3A_258] : memref<2x10112x128xf32, #tpu.memory_space<hbm>> -> memref<1x632x128xf32, #tpu.memory_space<hbm>>
      %dma_start3A_260 = tpu.memref_squeeze %dma_start3A_259 : memref<1x632x128xf32, #tpu.memory_space<hbm>> -> memref<632x128xf32, #tpu.memory_space<hbm>>
      %dma_start3A_261 = arith.constant 0 : i32
      %dma_start3A_262 = tpu.memref_slice %arg6[%mul3A_2, %dma_start3A_261] : memref<10112x128xf32, #tpu.memory_space<vmem_shared>> -> memref<632x128xf32, #tpu.memory_space<vmem_shared>>
      tpu.enqueue_dma source(%dma_start3A_262 : memref<632x128xf32, #tpu.memory_space<vmem_shared>>) target(%dma_start3A_260 : memref<632x128xf32, #tpu.memory_space<hbm>>) target_semaphore(%run_scoped3A : memref<!tpu.dma_semaphore, #tpu.memory_space<semaphore_mem>>)
      %dma_wait3A_263 = arith.constant 0 : i32
      %dma_wait3A_264 = tpu.memref_slice %arg5[%arg0, %mul3A_2, %dma_wait3A_263] : memref<2x10112x128xf32, #tpu.memory_space<hbm>> -> memref<1x632x128xf32, #tpu.memory_space<hbm>>
      %dma_wait3A_265 = tpu.memref_squeeze %dma_wait3A_264 : memref<1x632x128xf32, #tpu.memory_space<hbm>> -> memref<632x128xf32, #tpu.memory_space<hbm>>
      %dma_wait3A_266 = arith.constant 0 : i32
      %dma_wait3A_267 = tpu.memref_slice %arg6[%mul3A_2, %dma_wait3A_266] : memref<10112x128xf32, #tpu.memory_space<vmem_shared>> -> memref<632x128xf32, #tpu.memory_space<vmem_shared>>
      tpu.wait_dma2 semaphore(%run_scoped3A : memref<!tpu.dma_semaphore, #tpu.memory_space<semaphore_mem>>) src(%dma_wait3A_267 : memref<632x128xf32, #tpu.memory_space<vmem_shared>>) dst(%dma_wait3A_265 : memref<632x128xf32, #tpu.memory_space<hbm>>)
      tpu.yield
    }) : () -> ()
    return
  }
}

module attributes {stable_mosaic.version = 14 : i64} {
  func.func @_mm_body(%arg0: memref<10112x128xf32, #tpu.memory_space<vmem>>, %arg1: memref<128x128xf32, #tpu.memory_space<vmem>>, %arg2: memref<32x10112xf32, #tpu.memory_space<vmem>>, %arg3: memref<10112x128xf32, #tpu.memory_space<vmem>>, %arg4: memref<10112x1xf32, #tpu.memory_space<vmem>>) attributes {dimension_semantics = [], scalar_prefetch = 0 : i64, scratch_operands = 0 : i64, tpu.core_type = #tpu.core_type<tc>} {
    %get3A = arith.constant 0 : index
    %get3A_0 = arith.constant 0 : index
    %get3A_1 = vector.load %arg2[%get3A, %get3A_0] : memref<32x10112xf32, #tpu.memory_space<vmem>>, vector<32x10112xf32>
    %reduce_sum3A = arith.constant dense<0.000000e+00> : vector<10112xf32>
    %reduce_sum3A_2 = vector.multi_reduction <add>, %get3A_1, %reduce_sum3A [0] : vector<32x10112xf32> to vector<10112xf32>
    %add3A = arith.constant 1.000000e+00 : f32
    %add3A_3 = vector.broadcast %add3A : f32 to vector<10112xf32>
    %add3A_4 = arith.addf %reduce_sum3A_2, %add3A_3 : vector<10112xf32>
    %rsqrt3A = math.rsqrt %add3A_4 : vector<10112xf32>
    %get3A_5 = arith.constant 0 : index
    %get3A_6 = arith.constant 0 : index
    %get3A_7 = vector.load %arg0[%get3A_5, %get3A_6] : memref<10112x128xf32, #tpu.memory_space<vmem>>, vector<10112x128xf32>
    %get3A_8 = arith.constant 0 : index
    %get3A_9 = arith.constant 0 : index
    %get3A_10 = vector.load %arg1[%get3A_8, %get3A_9] : memref<128x128xf32, #tpu.memory_space<vmem>>, vector<128x128xf32>
    %dot_general3A = arith.constant dense<0.000000e+00> : vector<10112x128xf32>
    %dot_general3A_11 = tpu.matmul %get3A_7, %get3A_10, %dot_general3A {dimension_numbers = #tpu.dot_dimension_numbers<[1], [0], [0], [1], [0, 0, 1, 1], [], []>, transpose_lhs_hint = false} : vector<10112x128xf32>, vector<128x128xf32>, vector<10112x128xf32> -> vector<10112x128xf32>
    %broadcast_in_dim3A = vector.shape_cast %rsqrt3A : vector<10112xf32> to vector<10112x1xf32>
    %mul3A = vector.broadcast %broadcast_in_dim3A : vector<10112x1xf32> to vector<10112x128xf32>
    %mul3A_12 = arith.mulf %dot_general3A_11, %mul3A : vector<10112x128xf32>
    %swap3A = arith.constant 0 : index
    %swap3A_13 = arith.constant 0 : index
    %swap3A_14 = vector.load %arg3[%swap3A, %swap3A_13] : memref<10112x128xf32, #tpu.memory_space<vmem>>, vector<10112x128xf32>
    tpu.vector_store %arg3[%swap3A, %swap3A_13], %mul3A_12 {strides = array<i32>} : memref<10112x128xf32, #tpu.memory_space<vmem>>, vector<10112x128xf32>,
    %broadcast_in_dim3A_15 = vector.shape_cast %rsqrt3A : vector<10112xf32> to vector<10112x1xf32>
    %swap3A_16 = arith.constant 0 : index
    %swap3A_17 = arith.constant 0 : index
    %swap3A_18 = vector.load %arg4[%swap3A_16, %swap3A_17] : memref<10112x1xf32, #tpu.memory_space<vmem>>, vector<10112x1xf32>
    tpu.vector_store %arg4[%swap3A_16, %swap3A_17], %broadcast_in_dim3A_15 {strides = array<i32>} : memref<10112x1xf32, #tpu.memory_space<vmem>>, vector<10112x1xf32>,
    return
  }
}

module attributes {stable_mosaic.version = 14 : i64} {
  func.func @_fin_body(%arg0: i32, %arg1: memref<2x2000x128xf32, #tpu.memory_space<vmem>>, %arg2: memref<2000x128xf32, #tpu.memory_space<vmem>>, %arg3: memref<2000x1xf32, #tpu.memory_space<vmem>>, %arg4: memref<1x128xf32, #tpu.memory_space<vmem>>, %arg5: memref<1x128xf32, #tpu.memory_space<vmem>>, %arg6: memref<1x128xf32, #tpu.memory_space<vmem>>, %arg7: memref<2000x128xf32, #tpu.memory_space<vmem>>) attributes {dimension_semantics = [#tpu.dimension_semantics<arbitrary>], iteration_bounds = array<i64: 5>, scalar_prefetch = 0 : i64, scratch_operands = 0 : i64, tpu.core_type = #tpu.core_type<tc>, window_params = [{transform_indices = @transform_0, window_bounds = array<i64: 2, 2000, 128>}, {transform_indices = @transform_1, window_bounds = array<i64: 2000, 128>}, {transform_indices = @transform_2, window_bounds = array<i64: 2000, 1>}, {pipeline_mode = #tpu.pipeline_mode<synchronous>, transform_indices = @transform_3, window_bounds = array<i64: 1, 128>}, {pipeline_mode = #tpu.pipeline_mode<synchronous>, transform_indices = @transform_4, window_bounds = array<i64: 1, 128>}, {pipeline_mode = #tpu.pipeline_mode<synchronous>, transform_indices = @transform_5, window_bounds = array<i64: 1, 128>}, {transform_indices = @transform_6, window_bounds = array<i64: 2000, 128>}]} {
    %get3A = arith.constant 0 : index
    %get3A_0 = arith.constant 0 : index
    %get3A_1 = arith.constant 0 : index
    %get3A_2 = vector.load %arg1[%get3A, %get3A_0, %get3A_1] : memref<2x2000x128xf32, #tpu.memory_space<vmem>>, vector<1x2000x128xf32>
    %get3A_3 = vector.shape_cast %get3A_2 : vector<1x2000x128xf32> to vector<2000x128xf32>
    %get3A_4 = arith.constant 1 : index
    %get3A_5 = arith.constant 0 : index
    %get3A_6 = arith.constant 0 : index
    %get3A_7 = vector.load %arg1[%get3A_4, %get3A_5, %get3A_6] : memref<2x2000x128xf32, #tpu.memory_space<vmem>>, vector<1x2000x128xf32>
    %get3A_8 = vector.shape_cast %get3A_7 : vector<1x2000x128xf32> to vector<2000x128xf32>
    %add3A = arith.addf %get3A_3, %get3A_8 : vector<2000x128xf32>
    %get3A_9 = arith.constant 0 : index
    %get3A_10 = arith.constant 0 : index
    %get3A_11 = vector.load %arg2[%get3A_9, %get3A_10] : memref<2000x128xf32, #tpu.memory_space<vmem>>, vector<2000x128xf32>
    %add3A_12 = arith.addf %add3A, %get3A_11 : vector<2000x128xf32>
    %get3A_13 = arith.constant 0 : index
    %get3A_14 = arith.constant 0 : index
    %get3A_15 = vector.load %arg3[%get3A_13, %get3A_14] : memref<2000x1xf32, #tpu.memory_space<vmem>>, vector<2000x1xf32>
    %mul3A = vector.broadcast %get3A_15 : vector<2000x1xf32> to vector<2000x128xf32>
    %mul3A_16 = arith.mulf %add3A_12, %mul3A : vector<2000x128xf32>
    %get3A_17 = arith.constant 0 : index
    %get3A_18 = arith.constant 0 : index
    %get3A_19 = vector.load %arg4[%get3A_17, %get3A_18] : memref<1x128xf32, #tpu.memory_space<vmem>>, vector<1x128xf32>
    %add3A_20 = vector.broadcast %get3A_19 : vector<1x128xf32> to vector<2000x128xf32>
    %add3A_21 = arith.addf %mul3A_16, %add3A_20 : vector<2000x128xf32>
    %reduce_sum3A = arith.constant dense<0.000000e+00> : vector<2000xf32>
    %reduce_sum3A_22 = vector.multi_reduction <add>, %add3A_21, %reduce_sum3A [1] : vector<2000x128xf32> to vector<2000xf32>
    %broadcast_in_dim3A = vector.shape_cast %reduce_sum3A_22 : vector<2000xf32> to vector<2000x1xf32>
    %div3A = arith.constant 1.280000e+02 : f32
    %div3A_23 = vector.broadcast %div3A : f32 to vector<2000x1xf32>
    %div3A_24 = arith.divf %broadcast_in_dim3A, %div3A_23 : vector<2000x1xf32>
    %sub3A = vector.broadcast %div3A_24 : vector<2000x1xf32> to vector<2000x128xf32>
    %sub3A_25 = arith.subf %add3A_21, %sub3A : vector<2000x128xf32>
    %square3A = arith.mulf %sub3A_25, %sub3A_25 : vector<2000x128xf32>
    %reduce_sum3A_26 = arith.constant dense<0.000000e+00> : vector<2000xf32>
    %reduce_sum3A_27 = vector.multi_reduction <add>, %square3A, %reduce_sum3A_26 [1] : vector<2000x128xf32> to vector<2000xf32>
    %broadcast_in_dim3A_28 = vector.shape_cast %reduce_sum3A_27 : vector<2000xf32> to vector<2000x1xf32>
    %div3A_29 = arith.constant 1.280000e+02 : f32
    %div3A_30 = vector.broadcast %div3A_29 : f32 to vector<2000x1xf32>
    %div3A_31 = arith.divf %broadcast_in_dim3A_28, %div3A_30 : vector<2000x1xf32>
    %sub3A_32 = vector.broadcast %div3A_24 : vector<2000x1xf32> to vector<2000x128xf32>
    %sub3A_33 = arith.subf %add3A_21, %sub3A_32 : vector<2000x128xf32>
    %add3A_34 = arith.constant 9.99999974E-6 : f32
    %add3A_35 = vector.broadcast %add3A_34 : f32 to vector<2000x1xf32>
    %add3A_36 = arith.addf %div3A_31, %add3A_35 : vector<2000x1xf32>
    %rsqrt3A = math.rsqrt %add3A_36 : vector<2000x1xf32>
    %mul3A_37 = vector.broadcast %rsqrt3A : vector<2000x1xf32> to vector<2000x128xf32>
    %mul3A_38 = arith.mulf %sub3A_33, %mul3A_37 : vector<2000x128xf32>
    %get3A_39 = arith.constant 0 : index
    %get3A_40 = arith.constant 0 : index
    %get3A_41 = vector.load %arg5[%get3A_39, %get3A_40] : memref<1x128xf32, #tpu.memory_space<vmem>>, vector<1x128xf32>
    %mul3A_42 = vector.broadcast %get3A_41 : vector<1x128xf32> to vector<2000x128xf32>
    %mul3A_43 = arith.mulf %mul3A_38, %mul3A_42 : vector<2000x128xf32>
    %get3A_44 = arith.constant 0 : index
    %get3A_45 = arith.constant 0 : index
    %get3A_46 = vector.load %arg6[%get3A_44, %get3A_45] : memref<1x128xf32, #tpu.memory_space<vmem>>, vector<1x128xf32>
    %add3A_47 = vector.broadcast %get3A_46 : vector<1x128xf32> to vector<2000x128xf32>
    %add3A_48 = arith.addf %mul3A_43, %add3A_47 : vector<2000x128xf32>
    %swap3A = arith.constant 0 : index
    %swap3A_49 = arith.constant 0 : index
    %swap3A_50 = vector.load %arg7[%swap3A, %swap3A_49] : memref<2000x128xf32, #tpu.memory_space<vmem>>, vector<2000x128xf32>
    tpu.vector_store %arg7[%swap3A, %swap3A_49], %add3A_48 {strides = array<i32>} : memref<2000x128xf32, #tpu.memory_space<vmem>>, vector<2000x128xf32>,
    return
  }
  func.func @transform_0(%arg0: i32) -> (i32, i32, i32) {
    %c0_i32 = arith.constant 0 : i32
    %c0_i32_0 = arith.constant 0 : i32
    %c0_i32_1 = arith.constant 0 : i32
    return %c0_i32, %arg0, %c0_i32_0 : i32, i32, i32
  }
  func.func @transform_1(%arg0: i32) -> (i32, i32) {
    %c0_i32 = arith.constant 0 : i32
    %c0_i32_0 = arith.constant 0 : i32
    return %arg0, %c0_i32 : i32, i32
  }
  func.func @transform_2(%arg0: i32) -> (i32, i32) {
    %c0_i32 = arith.constant 0 : i32
    %c0_i32_0 = arith.constant 0 : i32
    return %arg0, %c0_i32 : i32, i32
  }
  func.func @transform_3(%arg0: i32) -> (i32, i32) {
    %c0_i32 = arith.constant 0 : i32
    %c0_i32_0 = arith.constant 0 : i32
    %c0_i32_1 = arith.constant 0 : i32
    return %c0_i32, %c0_i32_0 : i32, i32
  }
  func.func @transform_4(%arg0: i32) -> (i32, i32) {
    %c0_i32 = arith.constant 0 : i32
    %c0_i32_0 = arith.constant 0 : i32
    %c0_i32_1 = arith.constant 0 : i32
    return %c0_i32, %c0_i32_0 : i32, i32
  }
  func.func @transform_5(%arg0: i32) -> (i32, i32) {
    %c0_i32 = arith.constant 0 : i32
    %c0_i32_0 = arith.constant 0 : i32
    %c0_i32_1 = arith.constant 0 : i32
    return %c0_i32, %c0_i32_0 : i32, i32
  }
  func.func @transform_6(%arg0: i32) -> (i32, i32) {
    %c0_i32 = arith.constant 0 : i32
    %c0_i32_0 = arith.constant 0 : i32
    return %arg0, %c0_i32 : i32, i32
  }
}

</mosaic_0001>

<sc_bundles>
// kernel: kernel.6.cloned.1.call-start
scs
__scs_entry_jumppad:
0x0: {  	(pc) =	sbr.rel $0x88, $3  }
0x1: {  	(tag) =	ssettag $0x0;
	lr =	simm.s32 $0x1  }
0x2: {  	[smem:$0x3F9B] =	sst lr;
	_ =	strace $0xD0000000  }
0x3: {  	_ = 	snop  }
0x4: {  	_ = 	snop  }
0x5: {  	_ = 	snop  }
0x6: {  	_ = 	snop  }
0x7: {  	_ = 	snop  }
__scs_overlays_trampoline_lowered:
0x8: {  	[smem:$0x3FAA] =	sst s0  }
0x9: {  	[smem:$0x3FAB] =	sst s1  }
0xa: {  	[smem:$0x3FAC] =	sst s2  }
0xb: {  	[smem:$0x3FAD] =	sst s3  }
0xc: {  	[smem:$0x3FAE] =	sst s4  }
0xd: {  	[smem:$0x3FAF] =	sst s5  }
0xe: {  	[smem:$0x3FB0] =	sst s6  }
0xf: {  	[smem:$0x3FB1] =	sst s7  }
0x10: {  	[smem:$0x3FB2] =	sst s8  }
0x11: {  	[smem:$0x3FB3] =	sst s9;
	s0 =	simm.s32 @!p0 $0x0  }
0x12: {  	s1 =	sld [smem:$0x3F99];
	s0 =	simm.s32 @p0 $0x1  }
0x13: {  	[smem:$0x3FB4] =	sst s0;
	s0 =	simm.s32 @!p1 $0x0  }
0x14: {  	s2 =	sld [smem:$0x3F98];
	s0 =	simm.s32 @p1 $0x1  }
0x15: {  	[smem:$0x3FB5] =	sst s0;
	s0 =	simm.s32 @!p2 $0x0  }
0x16: {  	s3 =	sld [smem:$0x3FDB];
	s0 =	simm.s32 @p2 $0x1  }
0x17: {  	s4 =	simm.s32 $0x1BF5;
	[smem:$0x3FB7] =	sst s0  }
0x18: {  	s0 =	sld [smem:$0x3F9A];
	_ =	swait.ge [sflag:s4], $0x0  }
0x19: {  	s7 =	sld [smem:$0x3F9B]  }
0x1a: {  	s8 =	sadd.s32 $0xFFFFE003, lr  }
0x1b: {  	s9 =	sadd.s32 $0xFFFFFEF7, lr;
	s5 =	simm.s32 $0xFFFFFFFF;
	p2 =	slt.u32 s8, $0xFFFFF086  }
0x1c: {  	p1 =	slt.u32 s9, $0xF7A;
	s5 =	simm.s32 @!p2 $0x0  }
0x1d: {  	s5 =	simm.s32 @p1 $0x1;
	p0 =	seq.s32 s7, s2  }
0x1e: {  	s7 =	smul.u32 @!p0 $0xF7A, s2;
	p2 =	seq.s32 @!p0 s5, $0x0  }
0x1f: {  	s9 =	smul.u32 $0xF7A, s1;
	s8 =	simm.s32 @!p0 $0x1BF5;
	p2 =	por !p2, p0  }
0x20: {  	[sflag:s8] =	ssyncset.s32 @!p0 $0xFFFFF086;
	s6 =	sadd.s32 @!p0 s3, s7;
	s7 =	simm.s32 @!p0 $0x108  }
0x21: {  	s3 =	sadd.s32 s3, s9;
	s6 =	sadd.s32 @!p0 $0x88, s6;
	s7 =	simm.s32 @p2 $0x1082  }
0x22: {  	[simem:s7], [sflag:s8] =	dma.local @!p0 [hbm:s6], $0xF7A  }
0x23: {  	s9 =	sor.u32 $0xD0000000, s2;
	s6 =	simm.s32 $0x108;
	_ =	swait.ge @!p0 [sflag:s8], $0x0  }
0x24: {  	s3 =	sadd.s32 $0x88, s3;
	s6 =	simm.s32 @!p1 $0x1082;
	[sflag:s4] =	ssyncset.s32 $0xFFFFF086  }
0x25: {  	[simem:s6], [sflag:s4] =	dma.local [hbm:s3], $0xF7A  }
0x26: {  	[smem:$0x3F9B] =	sst s1;
	(tag) =	ssettag s2;
	_ =	strace s9  }
0x27: {  	s1 =	sld [smem:$0x3FAB]  }
0x28: {  	s2 =	sld [smem:$0x3FAC]  }
0x29: {  	s4 =	sld [smem:$0x3FAE]  }
0x2a: {  	p0 =	seq.s32 s5, $0x0;
	s5 =	sld [smem:$0x3FAF]  }
0x2b: {  	s6 =	sld [smem:$0x3FB0]  }
0x2c: {  	s7 =	sld [smem:$0x3FB1]  }
0x2d: {  	s3 =	simm.s32 $0x108;
	s8 =	sld [smem:$0x3FB2]  }
0x2e: {  	s3 =	simm.s32 @!p0 $0x1082;
	s9 =	sld [smem:$0x3FB3]  }
0x2f: {  	lr =	sadd.s32 s0, s3;
	s0 =	sld [smem:$0x3FAA]  }
0x30: {  	s3 =	sld [smem:$0x3FAD]  }
0x31: {  	[smem:$0x3FB6] =	sst s10  }
0x32: {  	s10 =	sld [smem:$0x3FB4];
	_ =	sdelay $0x3  }
0x33: {  	p0 =	seq.s32 s10, $0x1;
	s10 =	sld [smem:$0x3FB6];
	_ =	sdelay $0x3  }
0x34: {  	[smem:$0x3FB6] =	sst s10  }
0x35: {  	s10 =	sld [smem:$0x3FB5];
	_ =	sdelay $0x3  }
0x36: {  	p1 =	seq.s32 s10, $0x1;
	s10 =	sld [smem:$0x3FB6];
	_ =	sdelay $0x3  }
0x37: {  	[smem:$0x3FB6] =	sst s10  }
0x38: {  	s10 =	sld [smem:$0x3FB7]  }
0x39: {  	_ = 	snop;
	(pc) =	sbr.ind lr, $3  }
0x3a: {  	_ = 	snop  }
0x3b: {  	_ = 	snop  }
0x3c: {  	p2 =	seq.s32 s10, $0x1;
	s10 =	sld [smem:$0x3FB6]  }
0x3d: {  	_ =	shalt  }
0x3e: {  	_ =	shalt  }
0x3f: {  	_ =	shalt  }
0x40: {  	_ =	shalt  }
0x41: {  	_ =	shalt  }
0x42: {  	_ =	shalt  }
0x43: {  	_ =	shalt  }
0x44: {  	_ =	shalt  }
0x45: {  	_ =	shalt  }
0x46: {  	_ =	shalt  }
0x47: {  	_ =	shalt  }
0x48: {  	_ =	shalt  }
0x49: {  	_ =	shalt  }
0x4a: {  	_ =	shalt  }
0x4b: {  	_ =	shalt  }
0x4c: {  	_ =	shalt  }
0x4d: {  	_ =	shalt  }
0x4e: {  	_ =	shalt  }
0x4f: {  	_ =	shalt  }
0x50: {  	_ =	shalt  }
0x51: {  	_ =	shalt  }
0x52: {  	_ =	shalt  }
0x53: {  	_ =	shalt  }
0x54: {  	_ =	shalt  }
0x55: {  	_ =	shalt  }
0x56: {  	_ =	shalt  }
0x57: {  	_ =	shalt  }
0x58: {  	_ =	shalt  }
0x59: {  	_ =	shalt  }
0x5a: {  	_ =	shalt  }
0x5b: {  	_ =	shalt  }
0x5c: {  	_ =	shalt  }
0x5d: {  	_ =	shalt  }
0x5e: {  	_ =	shalt  }
0x5f: {  	_ =	shalt  }
0x60: {  	_ =	shalt  }
0x61: {  	_ =	shalt  }
0x62: {  	_ =	shalt  }
0x63: {  	_ =	shalt  }
0x64: {  	_ =	shalt  }
0x65: {  	_ =	shalt  }
0x66: {  	_ =	shalt  }
0x67: {  	_ =	shalt  }
0x68: {  	_ =	shalt  }
0x69: {  	_ =	shalt  }
0x6a: {  	_ =	shalt  }
0x6b: {  	_ =	shalt  }
0x6c: {  	_ =	shalt  }
0x6d: {  	_ =	shalt  }
0x6e: {  	_ =	shalt  }
0x6f: {  	_ =	shalt  }
0x70: {  	_ =	shalt  }
0x71: {  	_ =	shalt  }
0x72: {  	_ =	shalt  }
0x73: {  	_ =	shalt  }
0x74: {  	_ =	shalt  }
0x75: {  	_ =	shalt  }
0x76: {  	_ =	shalt  }
0x77: {  	_ =	shalt  }
0x78: {  	_ =	shalt  }
0x79: {  	_ =	shalt  }
0x7a: {  	_ =	shalt  }
0x7b: {  	_ =	shalt  }
0x7c: {  	_ =	shalt  }
0x7d: {  	_ =	shalt  }
0x7e: {  	_ =	shalt  }
0x7f: {  	_ =	shalt  }
0x80: {  	_ =	shalt  }
0x81: {  	_ =	shalt  }
0x82: {  	_ =	shalt  }
0x83: {  	_ =	shalt  }
0x84: {  	_ =	shalt  }
0x85: {  	_ =	shalt  }
0x86: {  	_ =	shalt  }
0x87: {  	_ =	shalt  }
.Lfunc_end0:
.L_simem_size_0:
called_computation_lowered:
.L_overlay_start_0:
0x88: {  	s2 =	sld [smem:$0x3FD9]  }
0x89: {  	s3 =	sld [smem:$0x3FFE];
	_ =	sdelay $0x1  }
0x8a: {  	s1 =	srdreg.scid  }
0x8b: {  	s0 =	sand.u32 $0x1, s1  }
0x8c: {  	s17 =	sshll.u32 s0, $0xA;
	s2 =	sadd.s32 s3, s2  }
0x8d: {  	s2 =	sadd.s32 s2, s17  }
0x8e: {  	[smem:$0x3FC2] =	sst s2  }
0x8f: {  	_ = 	snop  }
0x90: {  	s2 =	sld [smem:$0x3FD0];
	(tm) =	ssettm $0x1  }
0x91: {  	s18 =	sld [smem:$0x3FFB];
	_ =	sdelay $0x3  }
0x92: {  	_ =	strace s18  }
0x93: {  	s3 =	sld [smem:$0x3FFC];
	_ =	sdelay $0x3  }
0x94: {  	_ =	strace s3  }
0x95: {  	s3 =	sld [smem:$0x3FFD];
	_ =	sdelay $0x3  }
0x96: {  	_ =	strace s3  }
0x97: {  	_ =	strace $0x8FFFFFFF  }
0x98: {  	s19 =	sld [smem:$0x3FDB];
	_ =	sdelay $0x1  }
0x99: {  	s4 =	simm.s32 $_scs_section_size  }
0x9a: {  	s5 =	simm.s32 $_size__tile_overlayer_lowered;
	s6 =	simm.s32 $_tile_overlayer_lowered  }
0x9b: {  	s22 =	simm.s32 $0x1BFF;
	s21 =	sshll.u32 s6, $0x1;
	s3 =	sadd.s32 s4, s19  }
0x9c: {  	s7 =	simm.s32 $0x0;
	s20 =	sshll.u32 s5, $0x1;
	s5 =	sadd.s32 s21, s3  }
0x9d: {  	[timem:s7], [sflag:s22] =	dma.local [hbm:s5], s20  }
0x9e: {  	_ =	swait.ge [sflag:s22], s20  }
0x9f: {  	s4 =	ssub.s32 $0x0, s20;
	[sflag:s22] =	ssyncset.done $0x0  }
0xa0: {  	[sflag:s22] =	ssyncadd.s32 s4;
	_ =	sdelay $0x1  }
0xa1: {  	s23 =	simm.s32 $0x1B8B  }
0xa2: {  	_ =	swait.ge [sflag:s23], $0x1  }
0xa3: {  	[sflag:s23] =	ssyncset.done $0x0  }
0xa4: {  	s25 =	simm.s32 $0x1B8E;
	s24 =	sld [smem:$0x3FFE];
	[sflag:s23] =	ssyncadd.s32 $0xFFFFFFFF  }
0xa5: {  	s26 =	simm.s32 $execute0_lowered;
	[smem:$0x3FD2] =	sst s25  }
0xa6: {  	s5 =	sshll.u32 s26, $0x1;
	_ =	strace $0x80000046;
	[dreg:$0x1] =	wrdreg $0xFFFFFFFF  }
0xa7: {  	s28 =	simm.s32 $_size_execute0_lowered;
	s3 =	sadd.s32 s3, s5;
	[dreg:$0x0] =	wrdreg $0x0  }
0xa8: {  	s5 =	sshll.u32 s28, $0x1;
	[dreg:$0x2] =	wrdreg s3  }
0xa9: {  	[dreg:$0x3] =	wrdreg s5  }
0xaa: {  	[dreg:$0x4] =	wrdreg $0xC0  }
0xab: {  	_ =	task [dreg:s7], $0x5FFFF  }
0xac: {  	[dreg:$0x1] =	wrdreg $0xFFFFFFFF  }
0xad: {  	[dreg:$0x0] =	wrdreg $0x60  }
0xae: {  	[dreg:$0x2] =	wrdreg s24  }
0xaf: {  	[dreg:$0x3] =	wrdreg s2  }
0xb0: {  	[dreg:$0x4] =	wrdreg $0x9  }
0xb1: {  	_ =	task.clear_ibuf [dreg:s7], $0x5FFFF;
	_ =	strace $0x90000046  }
0xb2: {  	s29 =	simm.s32 $0x9;
	_ =	strace $0x80000048  }
0xb3: {  	_ =	swait.ge [sflag:s29], $0x1  }
0xb4: {  	[sflag:s29] =	ssyncadd.s32 $0xFFFFFFFF  }
0xb5: {  	_ =	strace $0x90000048  }
0xb6: {  	_ =	sfence  }
0xb7: {  	s30 =	sld [smem:$0x0];
	_ =	sdelay $0x2  }
0xb8: {  	s31 =	sshll.u32 s1, $0xD;
	s1 =	sshrl.u32 s1, $0x2  }
0xb9: {  	s3 =	sand.u32 $0x4000, s31;
	s1 =	sadd.s32 s1, s30  }
0xba: {  	s0 =	sor.u32 s3, s0;
	s1 =	sshll.u32 s1, $0x11  }
0xbb: {  	s0 =	sor.u32 s1, s0  }
0xbc: {  	s0 =	sadd.s32 $0x8F2B, s0  }
0xbd: {  	[sflag:s0] =	ssyncadd.remote.s32 $0x1  }
0xbe: {  	_ =	sfence.sel $0xFFFF  }
0xbf: {  	[dreg:$0x0] =	wrdreg $0xFFFFFFFF;
	(pc) =	sbr.abs _section_cstart, $3  }
0xc0: {  	[dreg:$0x1] =	wrdreg $0xFFFFFFFF  }
0xc1: {  	_ =	task.clear_ibuf [dreg:s7], $0x2FFFF;
	_ =	strace $0x9FFFFFFF  }
0xc2: {  	(tm) =	ssettm $0x7FFFFFFF  }
0xc3: {  	_ =	shalt  }
tec
execute0_lowered:
.L_overlay_start_1:
0x0: {  	(tag) =	ssettag $0x1  }
0x1: {  	s3 =	rddreg [dreg:$0x0]  }
0x2: {  	s4 =	rddreg [dreg:$0x1]  }
0x3: {  	s2 =	srdreg.scid;
	s1 =	stileid.u32  }
0x4: {  	s0 =	rddreg [dreg:$0x2];
	s10 =	simm.s32 $0x2;
	s11 =	simm.s32 $0x0  }
0x5: {  	s5 =	sand.u32 $0x1, s2;
	s6 =	sshll.u32 s1, $0x1;
	s2 =	simm.s32 $0x0  }
0x6: {  	s7 =	sshrl.u32 s1, $0x2;
	s6 =	sor.u32 s5, s6;
	[smem:$0x7FF] =	sst s2  }
0x7: {  	s7 =	smul.u32 $0x13C00, s7;
	s5 =	ssub.s32 $0x2, s5;
	s8 =	sshll.u32 s6, $0x7  }
0x8: {  	s6 =	smul.u32 $0x4EC, s6;
	_ =	strace $0x80000047;
	s9 =	sshrl.u32 s5, $0x1  }
0x9: {  	s8 =	sand.u32 $0x380, s8;
	s5 =	ssub.s32 s5, s9;
	s9 =	simm.s32 $0x400  }
0xa: {  	s7 =	sor.u32 s7, s8;
	s3 =	sadd.s32 s6, s3;
	s5 =	smax.u32 s5, $0x1  }
0xb: {  	s6 =	simm.s32 $0x2780;
	s8 =	simm.s32 $0x80;
	s31 =	sshrl.u32 s7, $0x3  }
0xc: {  	v0 =	vimm.f32 $0.0e+00;
	v1 =	vimm.f32 $1.000000000e+00;
	s3 =	sadd.s32 $0xC000, s3;
	s7 =	simm.s32 $0x1;
	s4 =	sadd.s32 s4, s31  }
.LBB2_1:
0xd: {  	[tilespmem:s6], [sflag:$0x1] =	stream.linear.gather [hbm4b:s3+s2], $0x2760, $0x38;
	[tilespmem:$0x4F00] =	vst v63  }
0xe: {  	s12 =	simm.s32 $0x20  }
0xf: {  	[tilespmem:s12+$0xFFFFFFE0] =	vst v0  }
0x10: {  	[tilespmem:s12+$0x10] =	vst v0  }
0x11: {  	s13 =	simm.s32 $0x0;
	[tilespmem:s12+$0x0] =	vst v0  }
.LBB2_2:
0x12: {  	s13 =	sadd.s32 $0x4, s13  }
0x13: {  	[tilespmem:s12+$0xFFFFFFF0] =	vst v0;
	s12 =	sadd.s32 $0x40, s12;
	p0 =	slt.u32 s13, $0x274  }
.Ltmp0:
0x14: {  	[tilespmem:s12+$0xFFFFFFE0] =	vst v0;
	(pc) =	sbr.rel @p0 .LBB2_2-.Ltmp0, $3  }
0x15: {  	_ =	sdelay $0x1  }
0x16: {  	[tilespmem:s12+$0x10] =	vst v0  }
0x17: {  	[tilespmem:s12+$0x0] =	vst v0  }
0x18: {  	[tilespmem:s12+$0xFFFFFFF0] =	vst v0  }
0x19: {  	_ =	swait.ge [sflag:s7], $0x2760  }
0x1a: {  	[sflag:s7] =	ssyncset.done $0x0  }
0x1b: {  	s12 =	simm.s32 $0xFFFFFFFC;
	s13 =	simm.s32 $0x2840;
	[sflag:s7] =	ssyncadd.s32 $0xFFFFD8A0  }
.LBB2_4:
0x1c: {  	v2 =	vld [tilespmem:s13+$0xFFFFFF40];
	_ =	sdelay $0x7  }
0x1d: {  	[tilespmem:v2+s2+$0x0] =	vst.idx.add.f32.msk $0xffff, v1  }
0x1e: {  	v2 =	vld [tilespmem:s13+$0xFFFFFF50];
	_ =	sdelay $0x7  }
0x1f: {  	[tilespmem:v2+s2+$0x0] =	vst.idx.add.f32.msk $0xffff, v1  }
0x20: {  	v2 =	vld [tilespmem:s13+$0xFFFFFF60];
	_ =	sdelay $0x7  }
0x21: {  	[tilespmem:v2+s2+$0x0] =	vst.idx.add.f32.msk $0xffff, v1  }
0x22: {  	v2 =	vld [tilespmem:s13+$0xFFFFFF70];
	_ =	sdelay $0x7  }
0x23: {  	[tilespmem:v2+s2+$0x0] =	vst.idx.add.f32.msk $0xffff, v1  }
0x24: {  	v2 =	vld [tilespmem:s13+$0xFFFFFF80];
	_ =	sdelay $0x7  }
0x25: {  	[tilespmem:v2+s2+$0x0] =	vst.idx.add.f32.msk $0xffff, v1  }
0x26: {  	v2 =	vld [tilespmem:s13+$0xFFFFFF90];
	_ =	sdelay $0x7  }
0x27: {  	[tilespmem:v2+s2+$0x0] =	vst.idx.add.f32.msk $0xffff, v1  }
0x28: {  	v2 =	vld [tilespmem:s13+$0xFFFFFFA0];
	_ =	sdelay $0x7  }
0x29: {  	[tilespmem:v2+s2+$0x0] =	vst.idx.add.f32.msk $0xffff, v1  }
0x2a: {  	v2 =	vld [tilespmem:s13+$0xFFFFFFB0];
	_ =	sdelay $0x7  }
0x2b: {  	[tilespmem:v2+s2+$0x0] =	vst.idx.add.f32.msk $0xffff, v1  }
0x2c: {  	v2 =	vld [tilespmem:s13+$0xFFFFFFC0];
	_ =	sdelay $0x7  }
0x2d: {  	[tilespmem:v2+s2+$0x0] =	vst.idx.add.f32.msk $0xffff, v1  }
0x2e: {  	v2 =	vld [tilespmem:s13+$0xFFFFFFD0];
	_ =	sdelay $0x7  }
0x2f: {  	[tilespmem:v2+s2+$0x0] =	vst.idx.add.f32.msk $0xffff, v1  }
0x30: {  	v2 =	vld [tilespmem:s13+$0xFFFFFFE0];
	_ =	sdelay $0x7  }
0x31: {  	[tilespmem:v2+s2+$0x0] =	vst.idx.add.f32.msk $0xffff, v1  }
0x32: {  	v2 =	vld [tilespmem:s13+$0xFFFFFFF0];
	_ =	sdelay $0x7  }
0x33: {  	[tilespmem:v2+s2+$0x0] =	vst.idx.add.f32.msk $0xffff, v1  }
0x34: {  	v2 =	vld [tilespmem:s13+$0x0];
	_ =	sdelay $0x7  }
0x35: {  	[tilespmem:v2+s2+$0x0] =	vst.idx.add.f32.msk $0xffff, v1  }
0x36: {  	v2 =	vld [tilespmem:s13+$0x10];
	_ =	sdelay $0x7  }
0x37: {  	[tilespmem:v2+s2+$0x0] =	vst.idx.add.f32.msk $0xffff, v1  }
0x38: {  	v2 =	vld [tilespmem:s13+$0x20];
	_ =	sdelay $0x7  }
0x39: {  	[tilespmem:v2+s2+$0x0] =	vst.idx.add.f32.msk $0xffff, v1  }
0x3a: {  	v2 =	vld [tilespmem:s13+$0x30];
	_ =	sdelay $0x7  }
0x3b: {  	[tilespmem:v2+s2+$0x0] =	vst.idx.add.f32.msk $0xffff, v1  }
0x3c: {  	v2 =	vld [tilespmem:s13+$0x40];
	_ =	sdelay $0x7  }
0x3d: {  	[tilespmem:v2+s2+$0x0] =	vst.idx.add.f32.msk $0xffff, v1  }
0x3e: {  	v2 =	vld [tilespmem:s13+$0x50];
	_ =	sdelay $0x7  }
0x3f: {  	[tilespmem:v2+s2+$0x0] =	vst.idx.add.f32.msk $0xffff, v1  }
0x40: {  	v2 =	vld [tilespmem:s13+$0x60];
	_ =	sdelay $0x7  }
0x41: {  	[tilespmem:v2+s2+$0x0] =	vst.idx.add.f32.msk $0xffff, v1  }
0x42: {  	v2 =	vld [tilespmem:s13+$0x70];
	_ =	sdelay $0x7  }
0x43: {  	[tilespmem:v2+s2+$0x0] =	vst.idx.add.f32.msk $0xffff, v1  }
0x44: {  	v2 =	vld [tilespmem:s13+$0x80];
	_ =	sdelay $0x7  }
0x45: {  	[tilespmem:v2+s2+$0x0] =	vst.idx.add.f32.msk $0xffff, v1  }
0x46: {  	v2 =	vld [tilespmem:s13+$0x90];
	_ =	sdelay $0x7  }
0x47: {  	[tilespmem:v2+s2+$0x0] =	vst.idx.add.f32.msk $0xffff, v1  }
0x48: {  	v2 =	vld [tilespmem:s13+$0xA0];
	_ =	sdelay $0x7  }
0x49: {  	[tilespmem:v2+s2+$0x0] =	vst.idx.add.f32.msk $0xffff, v1  }
0x4a: {  	v2 =	vld [tilespmem:s13+$0xB0];
	_ =	sdelay $0x1  }
0x4b: {  	s12 =	sadd.s32 $0x4, s12  }
0x4c: {  	p0 =	slt.u32 s12, $0x64  }
.Ltmp1:
0x4d: {  	_ = 	snop;
	(pc) =	sbr.rel @p0 .LBB2_4-.Ltmp1, $2  }
0x4e: {  	_ =	sdelay $0x2  }
0x4f: {  	s13 =	sadd.s32 $0x180, s13;
	[tilespmem:v2+s2+$0x0] =	vst.idx.add.f32.msk $0xffff, v1  }
0x50: {  	v2 =	vld [tilespmem:$0x4E80];
	_ =	sdelay $0x7  }
0x51: {  	[tilespmem:v2+s2+$0x0] =	vst.idx.add.f32.msk $0xffff, v1  }
0x52: {  	v2 =	vld [tilespmem:$0x4E90];
	_ =	sdelay $0x7  }
0x53: {  	[tilespmem:v2+s2+$0x0] =	vst.idx.add.f32.msk $0xffff, v1  }
0x54: {  	v2 =	vld [tilespmem:$0x4EA0];
	_ =	sdelay $0x7  }
0x55: {  	[tilespmem:v2+s2+$0x0] =	vst.idx.add.f32.msk $0xffff, v1  }
0x56: {  	v2 =	vld [tilespmem:$0x4EB0];
	_ =	sdelay $0x7  }
0x57: {  	[tilespmem:v2+s2+$0x0] =	vst.idx.add.f32.msk $0xffff, v1  }
0x58: {  	v2 =	vld [tilespmem:$0x4EC0];
	_ =	sdelay $0x7  }
0x59: {  	[tilespmem:v2+s2+$0x0] =	vst.idx.add.f32.msk $0xffff, v1  }
0x5a: {  	v2 =	vld [tilespmem:$0x4ED0];
	_ =	sdelay $0x5  }
0x5b: {  	s11 =	sadd.s32 $0x1, s11  }
0x5c: {  	p0 =	sne.s32 s11, s5  }
.Ltmp2:
0x5d: {  	[tilespmem:v2+s2+$0x0] =	vst.idx.add.f32.msk $0xffff, v1;
	(pc) =	sbr.rel @p0 .LBB2_1-.Ltmp2, $4  }
0x5e: {  	[hbm4b:s4+s8] =	stream.strided.scatter [tilespmem:s2], [sflag:$0x2], $0x2780, s9, s8, $0x38;
	[tilespmem:$0x4F00] =	vst v63  }
0x5f: {  	_ =	swait.ge [sflag:s10], $0x2780  }
0x60: {  	[sflag:s10] =	ssyncset.done $0x0  }
0x61: {  	[sflag:s10] =	ssyncadd.s32 $0xFFFFD880  }
0x62: {  	_ =	sfence.sel $0x180000  }
0x63: {  	[bflag:$0x0] =	sbarrier.arrive $0xFFFF  }
0x64: {  	p0 =	sne.s32 s1, $0x0;
	_ =	strace $0x90000047  }
0x65: {  	s0 =	sadd.s32 @!p0 $0x100000, s0;
	[bflag:$0x2] =	sbarrier.arrive $0xFFFF  }
0x66: {  	[sflag:s0] =	ssyncadd.tile.s32 @!p0 $0x1;
	_ =	shalt  }
.Lfunc_end2:
_tile_overlayer_lowered:
.L_overlay_start_2:
0x67: {  	(tag) =	ssettag $0x2  }
0x68: {  	s0 =	rddreg [dreg:$0x0];
	s2 =	stileid.u32  }
0x69: {  	s1 =	rddreg [dreg:$0x1];
	p0 =	sne.s32 s2, $0x0  }
0x6a: {  	s3 =	rddreg [dreg:$0x2];
	[bflag:$0x3] =	sbarrier.arrive $0xFFFF;
	s2 =	simm.s32 @!p0 $0x1C02  }
0x6b: {  	[timem:s3], [sflag:s2] =	dma.local @!p0 [hbm:s0], s1  }
0x6c: {  	s0 =	simm.s32 @!p0 $0x2  }
0x6d: {  	_ =	swait.ge @!p0 [sflag:s0], s1  }
0x6e: {  	s1 =	ssub.s32 @!p0 $0x0, s1;
	[sflag:s0] =	ssyncset.done @!p0 $0x0  }
0x6f: {  	[sflag:s0] =	ssyncadd.s32 @!p0 s1  }
0x70: {  	[bflag:$0x3] =	sbarrier.arrive $0xFFFF  }
0x71: {  	_ =	shalt  }

// kernel: kernel.9.cloned.1.call-start
scs
__scs_entry_jumppad:
0x0: {  	(pc) =	sbr.rel $0x88, $3  }
0x1: {  	(tag) =	ssettag $0x0;
	lr =	simm.s32 $0x1  }
0x2: {  	[smem:$0x3F9B] =	sst lr;
	_ =	strace $0xD0000000  }
0x3: {  	_ = 	snop  }
0x4: {  	_ = 	snop  }
0x5: {  	_ = 	snop  }
0x6: {  	_ = 	snop  }
0x7: {  	_ = 	snop  }
__scs_overlays_trampoline_lowered:
0x8: {  	[smem:$0x3FAA] =	sst s0  }
0x9: {  	[smem:$0x3FAB] =	sst s1  }
0xa: {  	[smem:$0x3FAC] =	sst s2  }
0xb: {  	[smem:$0x3FAD] =	sst s3  }
0xc: {  	[smem:$0x3FAE] =	sst s4  }
0xd: {  	[smem:$0x3FAF] =	sst s5  }
0xe: {  	[smem:$0x3FB0] =	sst s6  }
0xf: {  	[smem:$0x3FB1] =	sst s7  }
0x10: {  	[smem:$0x3FB2] =	sst s8  }
0x11: {  	[smem:$0x3FB3] =	sst s9;
	s0 =	simm.s32 @!p0 $0x0  }
0x12: {  	s1 =	sld [smem:$0x3F99];
	s0 =	simm.s32 @p0 $0x1  }
0x13: {  	[smem:$0x3FB4] =	sst s0;
	s0 =	simm.s32 @!p1 $0x0  }
0x14: {  	s2 =	sld [smem:$0x3F98];
	s0 =	simm.s32 @p1 $0x1  }
0x15: {  	[smem:$0x3FB5] =	sst s0;
	s0 =	simm.s32 @!p2 $0x0  }
0x16: {  	s3 =	sld [smem:$0x3FDB];
	s0 =	simm.s32 @p2 $0x1  }
0x17: {  	s4 =	simm.s32 $0x1BF5;
	[smem:$0x3FB7] =	sst s0  }
0x18: {  	s0 =	sld [smem:$0x3F9A];
	_ =	swait.ge [sflag:s4], $0x0  }
0x19: {  	s7 =	sld [smem:$0x3F9B]  }
0x1a: {  	s8 =	sadd.s32 $0xFFFFE003, lr  }
0x1b: {  	s9 =	sadd.s32 $0xFFFFFEF7, lr;
	s5 =	simm.s32 $0xFFFFFFFF;
	p2 =	slt.u32 s8, $0xFFFFF086  }
0x1c: {  	p1 =	slt.u32 s9, $0xF7A;
	s5 =	simm.s32 @!p2 $0x0  }
0x1d: {  	s5 =	simm.s32 @p1 $0x1;
	p0 =	seq.s32 s7, s2  }
0x1e: {  	s7 =	smul.u32 @!p0 $0xF7A, s2;
	p2 =	seq.s32 @!p0 s5, $0x0  }
0x1f: {  	s9 =	smul.u32 $0xF7A, s1;
	s8 =	simm.s32 @!p0 $0x1BF5;
	p2 =	por !p2, p0  }
0x20: {  	[sflag:s8] =	ssyncset.s32 @!p0 $0xFFFFF086;
	s6 =	sadd.s32 @!p0 s3, s7;
	s7 =	simm.s32 @!p0 $0x108  }
0x21: {  	s3 =	sadd.s32 s3, s9;
	s6 =	sadd.s32 @!p0 $0x88, s6;
	s7 =	simm.s32 @p2 $0x1082  }
0x22: {  	[simem:s7], [sflag:s8] =	dma.local @!p0 [hbm:s6], $0xF7A  }
0x23: {  	s9 =	sor.u32 $0xD0000000, s2;
	s6 =	simm.s32 $0x108;
	_ =	swait.ge @!p0 [sflag:s8], $0x0  }
0x24: {  	s3 =	sadd.s32 $0x88, s3;
	s6 =	simm.s32 @!p1 $0x1082;
	[sflag:s4] =	ssyncset.s32 $0xFFFFF086  }
0x25: {  	[simem:s6], [sflag:s4] =	dma.local [hbm:s3], $0xF7A  }
0x26: {  	[smem:$0x3F9B] =	sst s1;
	(tag) =	ssettag s2;
	_ =	strace s9  }
0x27: {  	s1 =	sld [smem:$0x3FAB]  }
0x28: {  	s2 =	sld [smem:$0x3FAC]  }
0x29: {  	s4 =	sld [smem:$0x3FAE]  }
0x2a: {  	p0 =	seq.s32 s5, $0x0;
	s5 =	sld [smem:$0x3FAF]  }
0x2b: {  	s6 =	sld [smem:$0x3FB0]  }
0x2c: {  	s7 =	sld [smem:$0x3FB1]  }
0x2d: {  	s3 =	simm.s32 $0x108;
	s8 =	sld [smem:$0x3FB2]  }
0x2e: {  	s3 =	simm.s32 @!p0 $0x1082;
	s9 =	sld [smem:$0x3FB3]  }
0x2f: {  	lr =	sadd.s32 s0, s3;
	s0 =	sld [smem:$0x3FAA]  }
0x30: {  	s3 =	sld [smem:$0x3FAD]  }
0x31: {  	[smem:$0x3FB6] =	sst s10  }
0x32: {  	s10 =	sld [smem:$0x3FB4];
	_ =	sdelay $0x3  }
0x33: {  	p0 =	seq.s32 s10, $0x1;
	s10 =	sld [smem:$0x3FB6];
	_ =	sdelay $0x3  }
0x34: {  	[smem:$0x3FB6] =	sst s10  }
0x35: {  	s10 =	sld [smem:$0x3FB5];
	_ =	sdelay $0x3  }
0x36: {  	p1 =	seq.s32 s10, $0x1;
	s10 =	sld [smem:$0x3FB6];
	_ =	sdelay $0x3  }
0x37: {  	[smem:$0x3FB6] =	sst s10  }
0x38: {  	s10 =	sld [smem:$0x3FB7]  }
0x39: {  	_ = 	snop;
	(pc) =	sbr.ind lr, $3  }
0x3a: {  	_ = 	snop  }
0x3b: {  	_ = 	snop  }
0x3c: {  	p2 =	seq.s32 s10, $0x1;
	s10 =	sld [smem:$0x3FB6]  }
0x3d: {  	_ =	shalt  }
0x3e: {  	_ =	shalt  }
0x3f: {  	_ =	shalt  }
0x40: {  	_ =	shalt  }
0x41: {  	_ =	shalt  }
0x42: {  	_ =	shalt  }
0x43: {  	_ =	shalt  }
0x44: {  	_ =	shalt  }
0x45: {  	_ =	shalt  }
0x46: {  	_ =	shalt  }
0x47: {  	_ =	shalt  }
0x48: {  	_ =	shalt  }
0x49: {  	_ =	shalt  }
0x4a: {  	_ =	shalt  }
0x4b: {  	_ =	shalt  }
0x4c: {  	_ =	shalt  }
0x4d: {  	_ =	shalt  }
0x4e: {  	_ =	shalt  }
0x4f: {  	_ =	shalt  }
0x50: {  	_ =	shalt  }
0x51: {  	_ =	shalt  }
0x52: {  	_ =	shalt  }
0x53: {  	_ =	shalt  }
0x54: {  	_ =	shalt  }
0x55: {  	_ =	shalt  }
0x56: {  	_ =	shalt  }
0x57: {  	_ =	shalt  }
0x58: {  	_ =	shalt  }
0x59: {  	_ =	shalt  }
0x5a: {  	_ =	shalt  }
0x5b: {  	_ =	shalt  }
0x5c: {  	_ =	shalt  }
0x5d: {  	_ =	shalt  }
0x5e: {  	_ =	shalt  }
0x5f: {  	_ =	shalt  }
0x60: {  	_ =	shalt  }
0x61: {  	_ =	shalt  }
0x62: {  	_ =	shalt  }
0x63: {  	_ =	shalt  }
0x64: {  	_ =	shalt  }
0x65: {  	_ =	shalt  }
0x66: {  	_ =	shalt  }
0x67: {  	_ =	shalt  }
0x68: {  	_ =	shalt  }
0x69: {  	_ =	shalt  }
0x6a: {  	_ =	shalt  }
0x6b: {  	_ =	shalt  }
0x6c: {  	_ =	shalt  }
0x6d: {  	_ =	shalt  }
0x6e: {  	_ =	shalt  }
0x6f: {  	_ =	shalt  }
0x70: {  	_ =	shalt  }
0x71: {  	_ =	shalt  }
0x72: {  	_ =	shalt  }
0x73: {  	_ =	shalt  }
0x74: {  	_ =	shalt  }
0x75: {  	_ =	shalt  }
0x76: {  	_ =	shalt  }
0x77: {  	_ =	shalt  }
0x78: {  	_ =	shalt  }
0x79: {  	_ =	shalt  }
0x7a: {  	_ =	shalt  }
0x7b: {  	_ =	shalt  }
0x7c: {  	_ =	shalt  }
0x7d: {  	_ =	shalt  }
0x7e: {  	_ =	shalt  }
0x7f: {  	_ =	shalt  }
0x80: {  	_ =	shalt  }
0x81: {  	_ =	shalt  }
0x82: {  	_ =	shalt  }
0x83: {  	_ =	shalt  }
0x84: {  	_ =	shalt  }
0x85: {  	_ =	shalt  }
0x86: {  	_ =	shalt  }
0x87: {  	_ =	shalt  }
.Lfunc_end0:
.L_simem_size_0:
called_computation.1_lowered:
.L_overlay_start_0:
0x88: {  	s2 =	sld [smem:$0x3FD9]  }
0x89: {  	s3 =	sld [smem:$0x3FFE];
	_ =	sdelay $0x1  }
0x8a: {  	s1 =	srdreg.scid  }
0x8b: {  	s0 =	sand.u32 $0x1, s1  }
0x8c: {  	s16 =	sshll.u32 s0, $0xA;
	s2 =	sadd.s32 s3, s2  }
0x8d: {  	s2 =	sadd.s32 s2, s16  }
0x8e: {  	[smem:$0x3FC2] =	sst s2  }
0x8f: {  	_ = 	snop  }
0x90: {  	(tm) =	ssettm $0x1  }
0x91: {  	s17 =	sld [smem:$0x3FFB];
	_ =	sdelay $0x3  }
0x92: {  	_ =	strace s17  }
0x93: {  	s2 =	sld [smem:$0x3FFC];
	_ =	sdelay $0x3  }
0x94: {  	_ =	strace s2  }
0x95: {  	s2 =	sld [smem:$0x3FFD];
	_ =	sdelay $0x3  }
0x96: {  	_ =	strace s2  }
0x97: {  	_ =	strace $0x8FFFFFFF  }
0x98: {  	s18 =	sld [smem:$0x3FDB];
	_ =	sdelay $0x1  }
0x99: {  	s19 =	simm.s32 $_scs_section_size  }
0x9a: {  	s4 =	simm.s32 $_size__tile_overlayer_lowered;
	s5 =	simm.s32 $_tile_overlayer_lowered  }
0x9b: {  	s22 =	simm.s32 $0x1BFF;
	s21 =	sshll.u32 s5, $0x1;
	s2 =	sadd.s32 s19, s18  }
0x9c: {  	s6 =	simm.s32 $0x0;
	s20 =	sshll.u32 s4, $0x1;
	s4 =	sadd.s32 s21, s2  }
0x9d: {  	[timem:s6], [sflag:s22] =	dma.local [hbm:s4], s20  }
0x9e: {  	_ =	swait.ge [sflag:s22], s20  }
0x9f: {  	s3 =	ssub.s32 $0x0, s20;
	[sflag:s22] =	ssyncset.done $0x0  }
0xa0: {  	[sflag:s22] =	ssyncadd.s32 s3;
	_ =	sdelay $0x1  }
0xa1: {  	s23 =	simm.s32 $0x1B8B  }
0xa2: {  	_ =	swait.ge [sflag:s23], $0x1  }
0xa3: {  	[sflag:s23] =	ssyncset.done $0x0  }
0xa4: {  	s25 =	simm.s32 $0x1B8E;
	s24 =	sld [smem:$0x3FFE];
	[sflag:s23] =	ssyncadd.s32 $0xFFFFFFFF  }
0xa5: {  	s26 =	simm.s32 $execute0_lowered;
	[smem:$0x3FD2] =	sst s25  }
0xa6: {  	s4 =	sshll.u32 s26, $0x1;
	_ =	strace $0x80000049;
	[dreg:$0x1] =	wrdreg $0xFFFFFFFF  }
0xa7: {  	s28 =	simm.s32 $_size_execute0_lowered;
	s2 =	sadd.s32 s2, s4;
	[dreg:$0x0] =	wrdreg $0x0  }
0xa8: {  	s4 =	sshll.u32 s28, $0x1;
	[dreg:$0x2] =	wrdreg s2  }
0xa9: {  	[dreg:$0x3] =	wrdreg s4  }
0xaa: {  	[dreg:$0x4] =	wrdreg $0xC0  }
0xab: {  	_ =	task [dreg:s6], $0x5FFFF  }
0xac: {  	[dreg:$0x1] =	wrdreg $0xFFFFFFFF  }
0xad: {  	[dreg:$0x0] =	wrdreg $0x60  }
0xae: {  	[dreg:$0x2] =	wrdreg s24  }
0xaf: {  	[dreg:$0x3] =	wrdreg $0x0  }
0xb0: {  	[dreg:$0x4] =	wrdreg $0x9  }
0xb1: {  	_ =	task.clear_ibuf [dreg:s6], $0x5FFFF;
	_ =	strace $0x90000049  }
0xb2: {  	s29 =	simm.s32 $0x9;
	_ =	strace $0x8000004B  }
0xb3: {  	_ =	swait.ge [sflag:s29], $0x1  }
0xb4: {  	[sflag:s29] =	ssyncadd.s32 $0xFFFFFFFF  }
0xb5: {  	_ =	strace $0x9000004B  }
0xb6: {  	_ =	sfence  }
0xb7: {  	s30 =	sld [smem:$0x0];
	_ =	sdelay $0x2  }
0xb8: {  	s31 =	sshll.u32 s1, $0xD;
	s1 =	sshrl.u32 s1, $0x2  }
0xb9: {  	s3 =	sand.u32 $0x4000, s31;
	s1 =	sadd.s32 s1, s30  }
0xba: {  	s0 =	sor.u32 s3, s0;
	s1 =	sshll.u32 s1, $0x11  }
0xbb: {  	s0 =	sor.u32 s1, s0  }
0xbc: {  	s0 =	sadd.s32 $0x8F2B, s0  }
0xbd: {  	[sflag:s0] =	ssyncadd.remote.s32 $0x1  }
0xbe: {  	_ =	sfence.sel $0xFFFF  }
0xbf: {  	[dreg:$0x0] =	wrdreg $0xFFFFFFFF;
	(pc) =	sbr.abs _section_cstart, $3  }
0xc0: {  	[dreg:$0x1] =	wrdreg $0xFFFFFFFF  }
0xc1: {  	_ =	task.clear_ibuf [dreg:s6], $0x2FFFF;
	_ =	strace $0x9FFFFFFF  }
0xc2: {  	(tm) =	ssettm $0x7FFFFFFF  }
0xc3: {  	_ =	shalt  }
tec
execute0_lowered:
.L_overlay_start_1:
0x0: {  	(tag) =	ssettag $0x1  }
0x1: {  	s0 =	rddreg [dreg:$0x0]  }
0x2: {  	s1 =	srdreg.scid;
	s2 =	rddreg [dreg:$0x1]  }
0x3: {  	s11 =	stileid.u32;
	s3 =	simm.s32 $0x0;
	s31 =	simm.s32 $0x13D00  }
0x4: {  	s29 =	simm.s32 $0x13C00;
	s28 =	simm.s32 $0x1D000;
	s6 =	smul.u32 $0x13C00, s11  }
0x5: {  	s1 =	sand.u32 $0x1, s1;
	[smem:$0x7FF] =	sst s3;
	s7 =	smul.u32 $0x4F000, s11  }
0x6: {  	s4 =	sadd.s32 $0x15E00, s0;
	s8 =	sadd.s32 $0xC000, s0;
	s22 =	smul.u32 $0x18, s11  }
0x7: {  	s25 =	sshll.u32 s11, $0x1;
	s11 =	simm.s32 $0x3;
	s5 =	smul.u32 $0x13C000, s1  }
0x8: {  	_ =	strace $0x8000004A;
	s9 =	ssub.s32 $0x2, s1;
	s7 =	sshrl.u32 s7, $0x2  }
0x9: {  	s10 =	sshrl.u32 s9, $0x1;
	s5 =	sadd.s32 s6, s5;
	s24 =	sadd.s32 s7, s2  }
0xa: {  	s6 =	sadd.s32 $0x2200, s0;
	s30 =	sadd.s32 $0x3000, s24;
	[dreg:$0x5] =	wrdreg s24  }
0xb: {  	s9 =	ssub.s32 s9, s10;
	s12 =	sadd.s32 $0x6000, s24;
	[dreg:$0x6] =	wrdreg s30  }
0xc: {  	s5 =	sshrl.u32 s5, $0x3;
	s13 =	sadd.s32 $0x9000, s24;
	[dreg:$0x7] =	wrdreg s12  }
0xd: {  	s14 =	sadd.s32 $0xC000, s24;
	s0 =	sadd.s32 s5, s0;
	[dreg:$0x8] =	wrdreg s13  }
0xe: {  	s5 =	sor.u32 s1, s25;
	[dreg:$0x9] =	wrdreg s14;
	s1 =	smul.u32 $0xC, s1  }
0xf: {  	s25 =	sadd.s32 $0xF000, s24;
	s30 =	smax.u32 s9, $0x1;
	s9 =	simm.s32 $0x2  }
0x10: {  	s13 =	simm.s32 $0x4;
	s12 =	simm.s32 $0x17000;
	s26 =	smul.u32 $0x60, s5  }
0x11: {  	s14 =	simm.s32 $0x1A000;
	s5 =	smul.u32 $0xC, s5;
	[dreg:$0x14] =	wrdreg s25  }
0x12: {  	s0 =	sadd.s32 $0x3D600, s0;
	[dreg:$0x17] =	wrdreg s30;
	s25 =	simm.s32 $0x9  }
0x13: {  	[dreg:$0x16] =	wrdreg s0;
	s0 =	simm.s32 $0x13E80;
	s15 =	sadd.s32 s6, s5  }
0x14: {  	s7 =	sshrl.u32 s26, $0x3;
	s5 =	sadd.s32 s8, s5;
	[dreg:$0xa] =	wrdreg s15  }
0x15: {  	s26 =	sadd.s32 $0x12000, s24;
	s16 =	sadd.s32 $0x180, s7;
	[dreg:$0xb] =	wrdreg s5  }
0x16: {  	s18 =	sadd.s32 $0x300, s7;
	[dreg:$0x15] =	wrdreg s26;
	s17 =	sadd.s32 s6, s16  }
0x17: {  	s20 =	sadd.s32 $0x480, s7;
	s10 =	sadd.s32 s8, s16;
	[dreg:$0xc] =	wrdreg s17  }
0x18: {  	s7 =	sor.u32 $0x9C00, s7;
	s19 =	sadd.s32 s6, s18;
	[dreg:$0xd] =	wrdreg s10  }
0x19: {  	s26 =	simm.s32 $0x13C80;
	s5 =	sadd.s32 s8, s18;
	[dreg:$0xe] =	wrdreg s19  }
0x1a: {  	s15 =	simm.s32 $0x5;
	s21 =	sadd.s32 s6, s20;
	[dreg:$0xf] =	wrdreg s5  }
0x1b: {  	s23 =	sadd.s32 s6, s7;
	s7 =	sadd.s32 s8, s7;
	[dreg:$0x10] =	wrdreg s21  }
0x1c: {  	s6 =	sadd.s32 s22, s6;
	s16 =	simm.s32 $0xD;
	[dreg:$0x12] =	wrdreg s23  }
0x1d: {  	s18 =	simm.s32 $0x6;
	s10 =	sadd.s32 s8, s20;
	[dreg:$0x13] =	wrdreg s7  }
0x1e: {  	s5 =	sadd.s32 s22, s8;
	s6 =	sadd.s32 s1, s6;
	s7 =	simm.s32 $0x1  }
0x1f: {  	s8 =	simm.s32 $0x60;
	s17 =	simm.s32 $0xA;
	s19 =	simm.s32 $0xB  }
0x20: {  	s20 =	simm.s32 $0x7;
	s21 =	simm.s32 $0xC;
	[dreg:$0x11] =	wrdreg s10  }
0x21: {  	s22 =	simm.s32 $0x8;
	[dreg:$0x3] =	wrdreg s6;
	s1 =	sadd.s32 s1, s5  }
0x22: {  	v0 =	vimm.f32 $0.0e+00;
	s10 =	simm.s32 $0x13F00;
	s6 =	simm.s32 $0x0;
	[dreg:$0x4] =	wrdreg s1  }
.LBB2_1:
0x23: {  	[dreg:$0x18] =	wrdreg s6;
	s5 =	simm.s32 $0x0;
	s23 =	simm.s32 $0x200  }
.LBB2_2:
0x24: {  	p0 =	sne.s32 s23, $0xBE00;
	[tilespmem:s5+$0x14070] =	vst v0  }
0x25: {  	[tilespmem:s5+$0x14000] =	vst v0  }
0x26: {  	[tilespmem:s5+$0x14010] =	vst v0  }
.Ltmp0:
0x27: {  	[tilespmem:s5+$0x14020] =	vst v0;
	(pc) =	sbr.rel @p0 .LBB2_2-.Ltmp0, $4  }
0x28: {  	[tilespmem:s5+$0x14030] =	vst v0  }
0x29: {  	[tilespmem:s5+$0x14040] =	vst v0  }
0x2a: {  	[tilespmem:s5+$0x14050] =	vst v0  }
0x2b: {  	[tilespmem:s5+$0x14060] =	vst v0;
	s5 =	sshra.s32 s23, $0x2;
	s23 =	sadd.s32 $0x200, s23  }
0x2c: {  	[tilespmem:s5+$0x14070] =	vst v0  }
0x2d: {  	[tilespmem:s5+$0x14000] =	vst v0  }
0x2e: {  	[tilespmem:s5+$0x14010] =	vst v0  }
0x2f: {  	[tilespmem:s5+$0x14020] =	vst v0  }
0x30: {  	[tilespmem:s5+$0x14030] =	vst v0  }
0x31: {  	[tilespmem:s5+$0x14040] =	vst v0  }
0x32: {  	[tilespmem:s5+$0x14050] =	vst v0  }
0x33: {  	[tilespmem:s5+$0x14060] =	vst v0;
	s1 =	simm.s32 $0x14000  }
0x34: {  	[spmem:s24] =	stream.linear.scatter [tilespmem:s1], [sflag:$0x9], $0x3000, $0x38;
	v63 =	vld [tilespmem:$0x0]  }
0x35: {  	s24 =	rddreg [dreg:$0x6]  }
0x36: {  	[spmem:s24] =	stream.linear.scatter [tilespmem:s1], [sflag:$0x9], $0x3000, $0x38;
	v63 =	vld [tilespmem:$0x0]  }
0x37: {  	s30 =	rddreg [dreg:$0x7]  }
0x38: {  	[spmem:s30] =	stream.linear.scatter [tilespmem:s1], [sflag:$0x9], $0x3000, $0x38;
	v63 =	vld [tilespmem:$0x0]  }
0x39: {  	s6 =	rddreg [dreg:$0x8]  }
0x3a: {  	[spmem:s6] =	stream.linear.scatter [tilespmem:s1], [sflag:$0x9], $0x3000, $0x38;
	v63 =	vld [tilespmem:$0x0]  }
0x3b: {  	s23 =	rddreg [dreg:$0x9]  }
0x3c: {  	[spmem:s23] =	stream.linear.scatter [tilespmem:s1], [sflag:$0x9], $0x3000, $0x38;
	v63 =	vld [tilespmem:$0x0]  }
0x3d: {  	s24 =	rddreg [dreg:$0x14]  }
0x3e: {  	[spmem:s24] =	stream.linear.scatter [tilespmem:s1], [sflag:$0x9], $0x3000, $0x38;
	v63 =	vld [tilespmem:$0x0]  }
0x3f: {  	s30 =	rddreg [dreg:$0x15]  }
0x40: {  	[spmem:s30] =	stream.linear.scatter [tilespmem:s1], [sflag:$0x9], $0x1C00, $0x38;
	v63 =	vld [tilespmem:$0x0]  }
0x41: {  	_ =	swait.ge [sflag:s25], $0x3000  }
0x42: {  	[sflag:s25] =	ssyncset.done $0x0  }
0x43: {  	[sflag:s25] =	ssyncadd.s32 $0xFFFFD000  }
0x44: {  	_ =	swait.ge [sflag:s25], $0x3000  }
0x45: {  	[sflag:s25] =	ssyncset.done $0x0  }
0x46: {  	[sflag:s25] =	ssyncadd.s32 $0xFFFFD000  }
0x47: {  	_ =	swait.ge [sflag:s25], $0x3000  }
0x48: {  	[sflag:s25] =	ssyncset.done $0x0  }
0x49: {  	[sflag:s25] =	ssyncadd.s32 $0xFFFFD000  }
0x4a: {  	_ =	swait.ge [sflag:s25], $0x3000  }
0x4b: {  	[sflag:s25] =	ssyncset.done $0x0  }
0x4c: {  	[sflag:s25] =	ssyncadd.s32 $0xFFFFD000  }
0x4d: {  	_ =	swait.ge [sflag:s25], $0x3000  }
0x4e: {  	[sflag:s25] =	ssyncset.done $0x0  }
0x4f: {  	[sflag:s25] =	ssyncadd.s32 $0xFFFFD000  }
0x50: {  	_ =	swait.ge [sflag:s25], $0x3000  }
0x51: {  	[sflag:s25] =	ssyncset.done $0x0  }
0x52: {  	[sflag:s25] =	ssyncadd.s32 $0xFFFFD000  }
0x53: {  	_ =	swait.ge [sflag:s25], $0x1C00  }
0x54: {  	[sflag:s25] =	ssyncset.done $0x0  }
0x55: {  	[sflag:s25] =	ssyncadd.s32 $0xFFFFE400  }
0x56: {  	[bflag:$0x0] =	sbarrier.arrive $0xFFFF  }
0x57: {  	s5 =	simm.s32 $0x0;
	s23 =	rddreg [dreg:$0xa]  }
0x58: {  	[tilespmem:s29], [sflag:$0x1] =	stream.linear.gather [hbm4b:s23+s5], $0x60, $0x38;
	v63 =	vld [tilespmem:$0x0]  }
0x59: {  	s30 =	simm.s32 $0x13E00;
	s6 =	rddreg [dreg:$0xb]  }
0x5a: {  	[tilespmem:s30], [sflag:$0x5] =	stream.linear.gather [hbm4b:s6+s5], $0x60, $0x38;
	v63 =	vld [tilespmem:$0x0]  }
0x5b: {  	s24 =	rddreg [dreg:$0xc]  }
0x5c: {  	[tilespmem:s26], [sflag:$0x2] =	stream.linear.gather [hbm4b:s24+s5], $0x60, $0x38;
	v63 =	vld [tilespmem:$0x0]  }
0x5d: {  	s6 =	rddreg [dreg:$0xd]  }
0x5e: {  	[tilespmem:s0], [sflag:$0x6] =	stream.linear.gather [hbm4b:s6+s5], $0x60, $0x38;
	v63 =	vld [tilespmem:$0x0]  }
0x5f: {  	s24 =	rddreg [dreg:$0xe]  }
0x60: {  	[tilespmem:s31], [sflag:$0x3] =	stream.linear.gather [hbm4b:s24+s5], $0x60, $0x38;
	v63 =	vld [tilespmem:$0x0]  }
0x61: {  	s6 =	rddreg [dreg:$0xf]  }
0x62: {  	[tilespmem:s10], [sflag:$0x7] =	stream.linear.gather [hbm4b:s6+s5], $0x60, $0x38;
	v63 =	vld [tilespmem:$0x0]  }
0x63: {  	s10 =	rddreg [dreg:$0x10];
	s6 =	simm.s32 $0x13D80  }
0x64: {  	[tilespmem:s6], [sflag:$0x4] =	stream.linear.gather [hbm4b:s10+s5], $0x60, $0x38;
	v63 =	vld [tilespmem:$0x0]  }
0x65: {  	s24 =	rddreg [dreg:$0x11];
	s10 =	simm.s32 $0x13F80  }
0x66: {  	[tilespmem:s10], [sflag:$0x8] =	stream.linear.gather [hbm4b:s24+s5], $0x60, $0x38;
	v63 =	vld [tilespmem:$0x0]  }
0x67: {  	_ =	swait.ge [sflag:s7], $0x60  }
0x68: {  	[sflag:s7] =	ssyncset.done $0x0  }
0x69: {  	[sflag:s7] =	ssyncadd.s32 $0xFFFFFFA0  }
0x6a: {  	[tilespmem:s1], [sflag:$0x9] =	stream.indirect.gather [hbm4b:s4+s8], $0x80, s29, s8, $0xb8;
	v63 =	vld [tilespmem:$0x0]  }
0x6b: {  	_ =	swait.ge [sflag:s9], $0x60  }
0x6c: {  	[sflag:s9] =	ssyncset.done $0x0  }
0x6d: {  	[sflag:s9] =	ssyncadd.s32 $0xFFFFFFA0  }
0x6e: {  	[tilespmem:s12], [sflag:$0xA] =	stream.indirect.gather [hbm4b:s4+s8], $0x80, s26, s8, $0xb8;
	v63 =	vld [tilespmem:$0x0]  }
0x6f: {  	_ =	swait.ge [sflag:s11], $0x60  }
0x70: {  	[sflag:s11] =	ssyncset.done $0x0  }
0x71: {  	[sflag:s11] =	ssyncadd.s32 $0xFFFFFFA0  }
0x72: {  	[tilespmem:s14], [sflag:$0xB] =	stream.indirect.gather [hbm4b:s4+s8], $0x80, s31, s8, $0xb8;
	v63 =	vld [tilespmem:$0x0]  }
0x73: {  	_ =	swait.ge [sflag:s13], $0x60  }
0x74: {  	[sflag:s13] =	ssyncset.done $0x0  }
0x75: {  	[sflag:s13] =	ssyncadd.s32 $0xFFFFFFA0  }
0x76: {  	[tilespmem:s28], [sflag:$0xC] =	stream.indirect.gather [hbm4b:s4+s8], $0x80, s6, s8, $0xb8;
	v63 =	vld [tilespmem:$0x0]  }
0x77: {  	_ =	swait.ge [sflag:s25], $0x3000  }
0x78: {  	s24 =	rddreg [dreg:$0x3]  }
0x79: {  	[sflag:s25] =	ssyncset.done $0x0;
	s5 =	sadd.s32 $0x0, s24  }
0x7a: {  	[sflag:s25] =	ssyncadd.s32 $0xFFFFD000;
	s6 =	sadd.s32 $0x600, s5  }
0x7b: {  	[tilespmem:s29], [sflag:$0x1] =	stream.linear.gather [hbm4b:s6+s3], $0x60, $0x38;
	v63 =	vld [tilespmem:$0x0]  }
0x7c: {  	_ =	swait.ge [sflag:s15], $0x60  }
0x7d: {  	[sflag:s15] =	ssyncset.done $0x0  }
0x7e: {  	[sflag:s15] =	ssyncadd.s32 $0xFFFFFFA0  }
0x7f: {  	[spmem:s2] =	stream.indirect.scatter.add.f32 [tilespmem:s1], [sflag:$0xD], $0x80, s30, s8, $0xb8;
	v63 =	vld [tilespmem:$0x0]  }
0x80: {  	_ =	swait.ge [sflag:s16], $0x3000  }
0x81: {  	s24 =	rddreg [dreg:$0x4]  }
0x82: {  	[sflag:s16] =	ssyncset.done $0x0;
	s23 =	sadd.s32 $0x0, s24  }
0x83: {  	[sflag:s16] =	ssyncadd.s32 $0xFFFFD000;
	s6 =	sadd.s32 $0x600, s23  }
0x84: {  	[tilespmem:s30], [sflag:$0x5] =	stream.linear.gather [hbm4b:s6+s3], $0x60, $0x38;
	v63 =	vld [tilespmem:$0x0]  }
0x85: {  	_ =	swait.ge [sflag:s7], $0x60  }
0x86: {  	[sflag:s7] =	ssyncset.done $0x0  }
0x87: {  	[sflag:s7] =	ssyncadd.s32 $0xFFFFFFA0  }
0x88: {  	[tilespmem:s1], [sflag:$0x9] =	stream.indirect.gather [hbm4b:s4+s8], $0x80, s29, s8, $0xb8;
	v63 =	vld [tilespmem:$0x0]  }
0x89: {  	_ =	swait.ge [sflag:s17], $0x3000  }
0x8a: {  	[sflag:s17] =	ssyncset.done $0x0  }
0x8b: {  	s6 =	sadd.s32 $0x780, s5;
	[sflag:s17] =	ssyncadd.s32 $0xFFFFD000  }
0x8c: {  	[tilespmem:s26], [sflag:$0x2] =	stream.linear.gather [hbm4b:s6+s3], $0x60, $0x38;
	v63 =	vld [tilespmem:$0x0]  }
0x8d: {  	_ =	swait.ge [sflag:s18], $0x60  }
0x8e: {  	[sflag:s18] =	ssyncset.done $0x0  }
0x8f: {  	[sflag:s18] =	ssyncadd.s32 $0xFFFFFFA0  }
0x90: {  	[spmem:s2] =	stream.indirect.scatter.add.f32 [tilespmem:s12], [sflag:$0xD], $0x80, s0, s8, $0xb8;
	v63 =	vld [tilespmem:$0x0]  }
0x91: {  	_ =	swait.ge [sflag:s16], $0x3000  }
0x92: {  	[sflag:s16] =	ssyncset.done $0x0  }
0x93: {  	s30 =	sadd.s32 $0x780, s23;
	[sflag:s16] =	ssyncadd.s32 $0xFFFFD000  }
0x94: {  	[tilespmem:s0], [sflag:$0x6] =	stream.linear.gather [hbm4b:s30+s3], $0x60, $0x38;
	v63 =	vld [tilespmem:$0x0]  }
0x95: {  	_ =	swait.ge [sflag:s9], $0x60  }
0x96: {  	[sflag:s9] =	ssyncset.done $0x0  }
0x97: {  	[sflag:s9] =	ssyncadd.s32 $0xFFFFFFA0  }
0x98: {  	[tilespmem:s12], [sflag:$0xA] =	stream.indirect.gather [hbm4b:s4+s8], $0x80, s26, s8, $0xb8;
	v63 =	vld [tilespmem:$0x0]  }
0x99: {  	_ =	swait.ge [sflag:s19], $0x3000  }
0x9a: {  	[sflag:s19] =	ssyncset.done $0x0  }
0x9b: {  	s0 =	sadd.s32 $0x900, s5;
	[sflag:s19] =	ssyncadd.s32 $0xFFFFD000  }
0x9c: {  	[tilespmem:s31], [sflag:$0x3] =	stream.linear.gather [hbm4b:s0+s3], $0x60, $0x38;
	v63 =	vld [tilespmem:$0x0]  }
0x9d: {  	_ =	swait.ge [sflag:s20], $0x60  }
0x9e: {  	[sflag:s20] =	ssyncset.done $0x0  }
0x9f: {  	s1 =	simm.s32 $0x13F00;
	[sflag:s20] =	ssyncadd.s32 $0xFFFFFFA0  }
0xa0: {  	[spmem:s2] =	stream.indirect.scatter.add.f32 [tilespmem:s14], [sflag:$0xD], $0x80, s1, s8, $0xb8;
	v63 =	vld [tilespmem:$0x0]  }
0xa1: {  	_ =	swait.ge [sflag:s16], $0x3000  }
0xa2: {  	[sflag:s16] =	ssyncset.done $0x0  }
0xa3: {  	s6 =	sadd.s32 $0x900, s23;
	[sflag:s16] =	ssyncadd.s32 $0xFFFFD000  }
0xa4: {  	[tilespmem:s1], [sflag:$0x7] =	stream.linear.gather [hbm4b:s6+s3], $0x60, $0x38;
	v63 =	vld [tilespmem:$0x0]  }
0xa5: {  	_ =	swait.ge [sflag:s11], $0x60  }
0xa6: {  	[sflag:s11] =	ssyncset.done $0x0  }
0xa7: {  	[sflag:s11] =	ssyncadd.s32 $0xFFFFFFA0  }
0xa8: {  	[tilespmem:s14], [sflag:$0xB] =	stream.indirect.gather [hbm4b:s4+s8], $0x80, s31, s8, $0xb8;
	v63 =	vld [tilespmem:$0x0]  }
0xa9: {  	_ =	swait.ge [sflag:s21], $0x3000  }
0xaa: {  	[sflag:s21] =	ssyncset.done $0x0  }
0xab: {  	s5 =	sadd.s32 $0xA80, s5;
	s26 =	simm.s32 $0x13D80;
	[sflag:s21] =	ssyncadd.s32 $0xFFFFD000  }
0xac: {  	[tilespmem:s26], [sflag:$0x4] =	stream.linear.gather [hbm4b:s5+s3], $0x60, $0x38;
	v63 =	vld [tilespmem:$0x0]  }
0xad: {  	_ =	swait.ge [sflag:s22], $0x60  }
0xae: {  	[sflag:s22] =	ssyncset.done $0x0  }
0xaf: {  	[sflag:s22] =	ssyncadd.s32 $0xFFFFFFA0  }
0xb0: {  	[spmem:s2] =	stream.indirect.scatter.add.f32 [tilespmem:s28], [sflag:$0xD], $0x80, s10, s8, $0xb8;
	v63 =	vld [tilespmem:$0x0]  }
0xb1: {  	_ =	swait.ge [sflag:s16], $0x3000  }
0xb2: {  	[sflag:s16] =	ssyncset.done $0x0  }
0xb3: {  	s30 =	sadd.s32 $0xA80, s23;
	[sflag:s16] =	ssyncadd.s32 $0xFFFFD000  }
0xb4: {  	[tilespmem:s10], [sflag:$0x8] =	stream.linear.gather [hbm4b:s30+s3], $0x60, $0x38;
	v63 =	vld [tilespmem:$0x0]  }
0xb5: {  	s0 =	simm.s32 $0x13E80;
	_ =	swait.ge [sflag:s13], $0x60  }
0xb6: {  	s6 =	simm.s32 $0x13F00;
	s1 =	simm.s32 $0x13D00;
	[sflag:s13] =	ssyncset.done $0x0  }
0xb7: {  	s31 =	simm.s32 $0x13C80;
	s5 =	simm.s32 $0x600;
	[sflag:s13] =	ssyncadd.s32 $0xFFFFFFA0  }
.LBB2_4:
0xb8: {  	[tilespmem:s28], [sflag:$0xC] =	stream.indirect.gather [hbm4b:s4+s8], $0x80, s26, s8, $0xb8;
	v63 =	vld [tilespmem:$0x0]  }
0xb9: {  	_ =	swait.ge [sflag:s25], $0x3000  }
0xba: {  	s24 =	smov.u32 s5;
	s23 =	rddreg [dreg:$0x3]  }
0xbb: {  	[sflag:s25] =	ssyncset.done $0x0;
	s23 =	sadd.s32 s24, s23  }
0xbc: {  	[sflag:s25] =	ssyncadd.s32 $0xFFFFD000;
	s10 =	sadd.s32 $0x600, s23  }
0xbd: {  	[tilespmem:s29], [sflag:$0x1] =	stream.linear.gather [hbm4b:s10+s3], $0x60, $0x38;
	v63 =	vld [tilespmem:$0x0]  }
0xbe: {  	_ =	swait.ge [sflag:s15], $0x60  }
0xbf: {  	[sflag:s15] =	ssyncset.done $0x0  }
0xc0: {  	s30 =	simm.s32 $0x14000;
	s10 =	simm.s32 $0x13E00;
	[sflag:s15] =	ssyncadd.s32 $0xFFFFFFA0  }
0xc1: {  	[spmem:s2] =	stream.indirect.scatter.add.f32 [tilespmem:s30], [sflag:$0xD], $0x80, s10, s8, $0xb8;
	v63 =	vld [tilespmem:$0x0]  }
0xc2: {  	_ =	swait.ge [sflag:s16], $0x3000  }
0xc3: {  	s26 =	rddreg [dreg:$0x4]  }
0xc4: {  	[sflag:s16] =	ssyncset.done $0x0;
	s24 =	sadd.s32 s24, s26  }
0xc5: {  	[sflag:s16] =	ssyncadd.s32 $0xFFFFD000;
	s26 =	sadd.s32 $0x600, s24  }
0xc6: {  	[tilespmem:s10], [sflag:$0x5] =	stream.linear.gather [hbm4b:s26+s3], $0x60, $0x38;
	v63 =	vld [tilespmem:$0x0]  }
0xc7: {  	_ =	swait.ge [sflag:s7], $0x60  }
0xc8: {  	[sflag:s7] =	ssyncset.done $0x0  }
0xc9: {  	[sflag:s7] =	ssyncadd.s32 $0xFFFFFFA0  }
0xca: {  	[tilespmem:s30], [sflag:$0x9] =	stream.indirect.gather [hbm4b:s4+s8], $0x80, s29, s8, $0xb8;
	v63 =	vld [tilespmem:$0x0]  }
0xcb: {  	_ =	swait.ge [sflag:s17], $0x3000  }
0xcc: {  	[sflag:s17] =	ssyncset.done $0x0  }
0xcd: {  	s30 =	sadd.s32 $0x780, s23;
	[sflag:s17] =	ssyncadd.s32 $0xFFFFD000  }
0xce: {  	[tilespmem:s31], [sflag:$0x2] =	stream.linear.gather [hbm4b:s30+s3], $0x60, $0x38;
	v63 =	vld [tilespmem:$0x0]  }
0xcf: {  	_ =	swait.ge [sflag:s18], $0x60  }
0xd0: {  	[sflag:s18] =	ssyncset.done $0x0  }
0xd1: {  	[sflag:s18] =	ssyncadd.s32 $0xFFFFFFA0  }
0xd2: {  	[spmem:s2] =	stream.indirect.scatter.add.f32 [tilespmem:s12], [sflag:$0xD], $0x80, s0, s8, $0xb8;
	v63 =	vld [tilespmem:$0x0]  }
0xd3: {  	_ =	swait.ge [sflag:s16], $0x3000  }
0xd4: {  	[sflag:s16] =	ssyncset.done $0x0  }
0xd5: {  	s10 =	sadd.s32 $0x780, s24;
	[sflag:s16] =	ssyncadd.s32 $0xFFFFD000  }
0xd6: {  	[tilespmem:s0], [sflag:$0x6] =	stream.linear.gather [hbm4b:s10+s3], $0x60, $0x38;
	v63 =	vld [tilespmem:$0x0]  }
0xd7: {  	_ =	swait.ge [sflag:s9], $0x60  }
0xd8: {  	[sflag:s9] =	ssyncset.done $0x0  }
0xd9: {  	[sflag:s9] =	ssyncadd.s32 $0xFFFFFFA0  }
0xda: {  	[tilespmem:s12], [sflag:$0xA] =	stream.indirect.gather [hbm4b:s4+s8], $0x80, s31, s8, $0xb8;
	v63 =	vld [tilespmem:$0x0]  }
0xdb: {  	_ =	swait.ge [sflag:s19], $0x3000  }
0xdc: {  	[sflag:s19] =	ssyncset.done $0x0  }
0xdd: {  	s30 =	sadd.s32 $0x900, s23;
	[sflag:s19] =	ssyncadd.s32 $0xFFFFD000  }
0xde: {  	[tilespmem:s1], [sflag:$0x3] =	stream.linear.gather [hbm4b:s30+s3], $0x60, $0x38;
	v63 =	vld [tilespmem:$0x0]  }
0xdf: {  	_ =	swait.ge [sflag:s20], $0x60  }
0xe0: {  	[sflag:s20] =	ssyncset.done $0x0  }
0xe1: {  	[sflag:s20] =	ssyncadd.s32 $0xFFFFFFA0  }
0xe2: {  	[spmem:s2] =	stream.indirect.scatter.add.f32 [tilespmem:s14], [sflag:$0xD], $0x80, s6, s8, $0xb8;
	v63 =	vld [tilespmem:$0x0]  }
0xe3: {  	_ =	swait.ge [sflag:s16], $0x3000  }
0xe4: {  	[sflag:s16] =	ssyncset.done $0x0  }
0xe5: {  	s10 =	sadd.s32 $0x900, s24;
	[sflag:s16] =	ssyncadd.s32 $0xFFFFD000  }
0xe6: {  	[tilespmem:s6], [sflag:$0x7] =	stream.linear.gather [hbm4b:s10+s3], $0x60, $0x38;
	v63 =	vld [tilespmem:$0x0]  }
0xe7: {  	_ =	swait.ge [sflag:s11], $0x60  }
0xe8: {  	[sflag:s11] =	ssyncset.done $0x0  }
0xe9: {  	[sflag:s11] =	ssyncadd.s32 $0xFFFFFFA0  }
0xea: {  	[tilespmem:s14], [sflag:$0xB] =	stream.indirect.gather [hbm4b:s4+s8], $0x80, s1, s8, $0xb8;
	v63 =	vld [tilespmem:$0x0]  }
0xeb: {  	_ =	swait.ge [sflag:s21], $0x3000  }
0xec: {  	[sflag:s21] =	ssyncset.done $0x0  }
0xed: {  	s26 =	simm.s32 $0x13D80;
	s23 =	sadd.s32 $0xA80, s23;
	[sflag:s21] =	ssyncadd.s32 $0xFFFFD000  }
0xee: {  	[tilespmem:s26], [sflag:$0x4] =	stream.linear.gather [hbm4b:s23+s3], $0x60, $0x38;
	v63 =	vld [tilespmem:$0x0]  }
0xef: {  	_ =	swait.ge [sflag:s22], $0x60  }
0xf0: {  	[sflag:s22] =	ssyncset.done $0x0  }
0xf1: {  	s23 =	simm.s32 $0x13F80;
	[sflag:s22] =	ssyncadd.s32 $0xFFFFFFA0  }
0xf2: {  	[spmem:s2] =	stream.indirect.scatter.add.f32 [tilespmem:s28], [sflag:$0xD], $0x80, s23, s8, $0xb8;
	v63 =	vld [tilespmem:$0x0]  }
0xf3: {  	_ =	swait.ge [sflag:s16], $0x3000  }
0xf4: {  	p0 =	sne.s32 s5, $0x9000;
	[sflag:s16] =	ssyncset.done $0x0  }
.Ltmp1:
0xf5: {  	s30 =	sadd.s32 $0xA80, s24;
	[sflag:s16] =	ssyncadd.s32 $0xFFFFD000;
	(pc) =	sbr.rel @p0 .LBB2_4-.Ltmp1, $4  }
0xf6: {  	[tilespmem:s23], [sflag:$0x8] =	stream.linear.gather [hbm4b:s30+s3], $0x60, $0x38;
	v63 =	vld [tilespmem:$0x0]  }
0xf7: {  	_ =	swait.ge [sflag:s13], $0x60  }
0xf8: {  	[sflag:s13] =	ssyncset.done $0x0  }
0xf9: {  	s5 =	sadd.s32 $0x600, s5;
	s24 =	simm.s32 $0x13F80;
	[sflag:s13] =	ssyncadd.s32 $0xFFFFFFA0  }
0xfa: {  	[tilespmem:s28], [sflag:$0xC] =	stream.indirect.gather [hbm4b:s4+s8], $0x80, s26, s8, $0xb8;
	v63 =	vld [tilespmem:$0x0]  }
0xfb: {  	_ =	swait.ge [sflag:s25], $0x3000  }
0xfc: {  	[sflag:s25] =	ssyncset.done $0x0  }
0xfd: {  	s5 =	rddreg [dreg:$0x12];
	[sflag:s25] =	ssyncadd.s32 $0xFFFFD000  }
0xfe: {  	[tilespmem:s29], [sflag:$0x1] =	stream.linear.gather [hbm4b:s5+s3], $0x60, $0x38;
	v63 =	vld [tilespmem:$0x0]  }
0xff: {  	_ =	swait.ge [sflag:s15], $0x60  }
0x100: {  	[sflag:s15] =	ssyncset.done $0x0  }
0x101: {  	s1 =	simm.s32 $0x14000;
	s10 =	simm.s32 $0x13E00;
	[sflag:s15] =	ssyncadd.s32 $0xFFFFFFA0  }
0x102: {  	[spmem:s2] =	stream.indirect.scatter.add.f32 [tilespmem:s1], [sflag:$0xD], $0x80, s10, s8, $0xb8;
	v63 =	vld [tilespmem:$0x0]  }
0x103: {  	_ =	swait.ge [sflag:s16], $0x3000  }
0x104: {  	[sflag:s16] =	ssyncset.done $0x0  }
0x105: {  	s30 =	rddreg [dreg:$0x13];
	[sflag:s16] =	ssyncadd.s32 $0xFFFFD000  }
0x106: {  	[tilespmem:s10], [sflag:$0x5] =	stream.linear.gather [hbm4b:s30+s3], $0x60, $0x38;
	v63 =	vld [tilespmem:$0x0]  }
0x107: {  	_ =	swait.ge [sflag:s7], $0x60  }
0x108: {  	[sflag:s7] =	ssyncset.done $0x0  }
0x109: {  	[sflag:s7] =	ssyncadd.s32 $0xFFFFFFA0  }
0x10a: {  	[tilespmem:s1], [sflag:$0x9] =	stream.indirect.gather [hbm4b:s4+s8], $0x80, s29, s8, $0xb8;
	v63 =	vld [tilespmem:$0x0]  }
0x10b: {  	_ =	swait.ge [sflag:s17], $0x3000  }
0x10c: {  	[sflag:s17] =	ssyncset.done $0x0  }
0x10d: {  	[sflag:s17] =	ssyncadd.s32 $0xFFFFD000  }
0x10e: {  	_ =	swait.ge [sflag:s18], $0x60  }
0x10f: {  	[sflag:s18] =	ssyncset.done $0x0  }
0x110: {  	[sflag:s18] =	ssyncadd.s32 $0xFFFFFFA0  }
0x111: {  	[spmem:s2] =	stream.indirect.scatter.add.f32 [tilespmem:s12], [sflag:$0xD], $0x80, s0, s8, $0xb8;
	v63 =	vld [tilespmem:$0x0]  }
0x112: {  	_ =	swait.ge [sflag:s16], $0x3000  }
0x113: {  	[sflag:s16] =	ssyncset.done $0x0  }
0x114: {  	[sflag:s16] =	ssyncadd.s32 $0xFFFFD000  }
0x115: {  	_ =	swait.ge [sflag:s19], $0x3000  }
0x116: {  	[sflag:s19] =	ssyncset.done $0x0  }
0x117: {  	[sflag:s19] =	ssyncadd.s32 $0xFFFFD000  }
0x118: {  	_ =	swait.ge [sflag:s20], $0x60  }
0x119: {  	[sflag:s20] =	ssyncset.done $0x0  }
0x11a: {  	[sflag:s20] =	ssyncadd.s32 $0xFFFFFFA0  }
0x11b: {  	[spmem:s2] =	stream.indirect.scatter.add.f32 [tilespmem:s14], [sflag:$0xD], $0x80, s6, s8, $0xb8;
	v63 =	vld [tilespmem:$0x0]  }
0x11c: {  	_ =	swait.ge [sflag:s16], $0x3000  }
0x11d: {  	[sflag:s16] =	ssyncset.done $0x0  }
0x11e: {  	[sflag:s16] =	ssyncadd.s32 $0xFFFFD000  }
0x11f: {  	_ =	swait.ge [sflag:s21], $0x3000  }
0x120: {  	[sflag:s21] =	ssyncset.done $0x0  }
0x121: {  	[sflag:s21] =	ssyncadd.s32 $0xFFFFD000  }
0x122: {  	_ =	swait.ge [sflag:s22], $0x60  }
0x123: {  	[sflag:s22] =	ssyncset.done $0x0  }
0x124: {  	[sflag:s22] =	ssyncadd.s32 $0xFFFFFFA0  }
0x125: {  	[spmem:s2] =	stream.indirect.scatter.add.f32 [tilespmem:s28], [sflag:$0xD], $0x80, s24, s8, $0xb8;
	v63 =	vld [tilespmem:$0x0]  }
0x126: {  	_ =	swait.ge [sflag:s16], $0x3000  }
0x127: {  	[sflag:s16] =	ssyncset.done $0x0  }
0x128: {  	[sflag:s16] =	ssyncadd.s32 $0xFFFFD000  }
0x129: {  	_ =	swait.ge [sflag:s25], $0x3000  }
0x12a: {  	[sflag:s25] =	ssyncset.done $0x0  }
0x12b: {  	[sflag:s25] =	ssyncadd.s32 $0xFFFFD000  }
0x12c: {  	_ =	swait.ge [sflag:s15], $0x60  }
0x12d: {  	[sflag:s15] =	ssyncset.done $0x0  }
0x12e: {  	[sflag:s15] =	ssyncadd.s32 $0xFFFFFFA0  }
0x12f: {  	[spmem:s2] =	stream.indirect.scatter.add.f32 [tilespmem:s1], [sflag:$0xD], $0x80, s10, s8, $0xb8;
	v63 =	vld [tilespmem:$0x0]  }
0x130: {  	_ =	swait.ge [sflag:s16], $0x3000  }
0x131: {  	[sflag:s16] =	ssyncset.done $0x0  }
0x132: {  	[sflag:s16] =	ssyncadd.s32 $0xFFFFD000  }
0x133: {  	s6 =	stileid.u32;
	[bflag:$0x0] =	sbarrier.arrive $0xFFFF  }
0x134: {  	s5 =	sshll.u32 s6, $0x6;
	s24 =	rddreg [dreg:$0x5]  }
0x135: {  	s5 =	sor.u32 $0x1C0D, s5;
	s10 =	rddreg [dreg:$0x16];
	s23 =	sshrl.u32 s24, $0x3  }
0x136: {  	[hbm:s10], [sflag:s5] =	dma.local [spmem:s23], $0x2780  }
0x137: {  	_ =	swait.ge [sflag:s16], $0x2780  }
0x138: {  	s26 =	rddreg [dreg:$0x18]  }
0x139: {  	s30 =	rddreg [dreg:$0x17];
	s6 =	sadd.s32 $0x1, s26  }
0x13a: {  	p0 =	sne.s32 s6, s30  }
.Ltmp2:
0x13b: {  	_ = 	snop;
	(pc) =	sbr.rel @p0 .LBB2_1-.Ltmp2, $3  }
0x13c: {  	_ =	sdelay $0x1  }
0x13d: {  	s31 =	simm.s32 $0x13D00;
	s0 =	simm.s32 $0x13E80;
	[sflag:s16] =	ssyncset.done $0x0  }
0x13e: {  	s10 =	simm.s32 $0x13F00;
	[sflag:s16] =	ssyncadd.s32 $0xFFFFD880;
	s26 =	simm.s32 $0x13C80  }
0x13f: {  	_ =	sfence.sel $0x180000  }
0x140: {  	[bflag:$0x0] =	sbarrier.arrive $0xFFFF  }
0x141: {  	_ =	strace $0x9000004A  }
0x142: {  	s0 =	stileid.u32;
	[bflag:$0x2] =	sbarrier.arrive $0xFFFF  }
0x143: {  	p0 =	sne.s32 s0, $0x0;
	s0 =	rddreg [dreg:$0x2]  }
0x144: {  	s0 =	sadd.s32 @!p0 $0x100000, s0  }
0x145: {  	[sflag:s0] =	ssyncadd.tile.s32 @!p0 $0x1;
	_ =	shalt  }
.Lfunc_end2:
_tile_overlayer_lowered:
.L_overlay_start_2:
0x146: {  	(tag) =	ssettag $0x2  }
0x147: {  	s0 =	rddreg [dreg:$0x0];
	s2 =	stileid.u32  }
0x148: {  	s1 =	rddreg [dreg:$0x1];
	p0 =	sne.s32 s2, $0x0  }
0x149: {  	s3 =	rddreg [dreg:$0x2];
	[bflag:$0x3] =	sbarrier.arrive $0xFFFF;
	s2 =	simm.s32 @!p0 $0x1C0D  }
0x14a: {  	[timem:s3], [sflag:s2] =	dma.local @!p0 [hbm:s0], s1  }
0x14b: {  	s0 =	simm.s32 @!p0 $0xD  }
0x14c: {  	_ =	swait.ge @!p0 [sflag:s0], s1  }
0x14d: {  	s1 =	ssub.s32 @!p0 $0x0, s1;
	[sflag:s0] =	ssyncset.done @!p0 $0x0  }
0x14e: {  	[sflag:s0] =	ssyncadd.s32 @!p0 s1  }
0x14f: {  	[bflag:$0x3] =	sbarrier.arrive $0xFFFF  }
0x150: {  	_ =	shalt  }

</sc_bundles>
